<compile_context>
chip_gen: v7x
topology: tpu7x:2x2x1
jax: 0.10.2.dev20260603
libtpu: 0.0.44.dev20260713+nightly
codegen_flags: <defaults>
</compile_context>

<pallas_src>
import functools
import jax
import jax.numpy as jnp
from jax import lax
from jax.experimental import pallas as pl
from jax.experimental.pallas import tpu as pltpu
from jax.experimental.pallas import tpu_sc as plsc

_A_ROWS = 4096
_B_ROWS = 2048
_L = 1024
_NW = 32
_SLABS_PER_BATCH = 8
_SLAB = _A_ROWS // _SLABS_PER_BATCH
_K = 64


def _sc_body(a_h, b_h, i_h, out_h, i_v, buf, gsem, ssem):
    cid = lax.axis_index("c")
    sid = lax.axis_index("s")
    wid = sid * 2 + cid
    bb = wid // _SLABS_PER_BATCH
    r0 = (wid % _SLABS_PER_BATCH) * _SLAB
    pltpu.sync_copy(i_h, i_v)
    ii = i_v[...][0]

    def chunk(t, carry):
        s = r0 + t * _K

        def issue(src, src_start, dst_off, length):
            o = jnp.int32(0)
            for lg in range(6, -1, -1):
                sz = 1 << lg
                bit = (length & sz) != 0
                o_now = o

                @pl.when(bit)
                def _():
                    pltpu.make_async_copy(
                        src.at[bb, pl.ds(src_start + o_now, sz), :],
                        buf.at[pl.ds(dst_off + o_now, sz), :],
                        gsem,
                    ).start()

                o = o + jnp.where(bit, sz, 0).astype(jnp.int32)

        l_pre = jnp.clip(ii - s, 0, _K)
        l_mid = jnp.clip(ii + _B_ROWS - s, 0, _K) - l_pre
        issue(a_h, s, jnp.int32(0), l_pre)
        issue(b_h, s + l_pre - ii, l_pre, l_mid)
        issue(a_h, s + l_pre + l_mid, l_pre + l_mid, _K - l_pre - l_mid)
        pltpu.make_async_copy(a_h.at[bb, pl.ds(r0, _K), :], buf, gsem).wait()
        out_cp = pltpu.make_async_copy(
            buf, out_h.at[bb, pl.ds(s, _K), :], ssem
        )
        out_cp.start()
        out_cp.wait()
        return carry

    lax.fori_loop(0, _SLAB // _K, chunk, 0)


def kernel(a, b, i):
    mesh = plsc.VectorSubcoreMesh(core_axis_name="c", subcore_axis_name="s")
    f = functools.partial(
        pl.kernel,
        mesh=mesh,
        out_type=jax.ShapeDtypeStruct(a.shape, a.dtype),
        compiler_params=pltpu.CompilerParams(use_tc_tiling_on_sc=False),
        scratch_types=[
            pltpu.VMEM((16,), jnp.int32),
            pltpu.VMEM((_K, _L), jnp.float32),
            pltpu.SemaphoreType.DMA,
            pltpu.SemaphoreType.DMA,
        ],
    )(_sc_body)
    i16 = jnp.broadcast_to(i.astype(jnp.int32), (16,))
    return f(a, b, i16)

# --- scband reference (transcript-rebuilt; emitter-appended) ---
"""Pipeline reference for scband-slice-assign-41446434406419 (READ-ONLY COPY).

The authoritative reference and input builder live on the scoring server;
editing this copy changes nothing except your own understanding.
"""

import jax, jax.numpy as jnp
import numpy as np

A_DIM = 4096
B_DIM = 2048

def setup_inputs(seed: int = 0) -> dict:
    key = jax.random.key(seed)
    k1, k2, k3 = jax.random.split(key, 3)
    a = jax.random.normal(k1, (4, A_DIM, 1024), dtype=jnp.float32)
    b = jax.random.normal(k2, (4, B_DIM, 1024), dtype=jnp.float32)
    i = jax.random.randint(k3, (1,), 0, 2048, dtype=jnp.int32)
    return {"a": a, "b": b, "i": i}

def reference(a, b, i):
    # GOAL: a[:, i:min(i+b.shape[1], a.shape[1])] = b, output width == a_dim.
    # i is drawn from [0, 2048) and b_dim + i <= a_dim, so the insertion of b
    # into a at traced offset i always fits; dynamic_update_slice expresses
    # this with a static output shape while remaining traceable.
    ii = i[0]
    return jax.lax.dynamic_update_slice(a, b, (jnp.int32(0), ii, jnp.int32(0)))

if __name__ == "__main__":
    import jax
    _d = setup_inputs()
    print(jax.jit(kernel)(*tuple(_d.values())))

</pallas_src>

<mosaic_0001>
#map = affine_map<(d0, d1) -> (0, 0, 0)>
#map1 = affine_map<(d0, d1) -> (0)>
module attributes {stable_mosaic.version = 14 : i64} {
  func.func @_sc_body(%arg0: i32, %arg1: i32, %arg2: memref<4x4096x1024xf32, #tpu.memory_space<hbm>>, %arg3: memref<4x2048x1024xf32, #tpu.memory_space<hbm>>, %arg4: memref<16xi32, #tpu.memory_space<hbm>>, %arg5: memref<4x4096x1024xf32, #tpu.memory_space<hbm>>, %arg6: memref<16xi32, #tpu.memory_space<vmem>>, %arg7: memref<64x1024xf32, #tpu.memory_space<vmem>>, %arg8: memref<!tpu.dma_semaphore, #tpu.memory_space<semaphore_mem>>, %arg9: memref<!tpu.dma_semaphore, #tpu.memory_space<semaphore_mem>>) attributes {dimension_semantics = [#tpu.dimension_semantics<core_parallel>, #tpu.dimension_semantics<subcore_parallel>], iteration_bounds = array<i64: 2, 16>, scalar_prefetch = 0 : i64, scratch_operands = 4 : i64, tpu.core_type = #tpu.core_type<sc_vector_subcore>, window_params = [{transform_indices = #map}, {transform_indices = #map}, {transform_indices = #map1}, {transform_indices = #map}]} {
    %mul3A = arith.constant 2 : i32
    %mul3A_0 = arith.muli %arg1, %mul3A : i32
    %add3A = arith.addi %mul3A_0, %arg0 : i32
    %jit3A = arith.constant 8 : i32
    %div3A = arith.divsi %add3A, %jit3A : i32
    %sign3A = arith.constant 0 : i32
    %sign3A_1 = arith.cmpi sgt, %add3A, %sign3A : i32
    %sign3A_2 = arith.extui %sign3A_1 : i1 to i32
    %sign3A_3 = arith.constant 0 : i32
    %sign3A_4 = arith.cmpi slt, %add3A, %sign3A_3 : i32
    %sign3A_5 = arith.extui %sign3A_4 : i1 to i32
    %sign3A_6 = arith.subi %sign3A_2, %sign3A_5 : i32
    %sign3A_7 = arith.constant 0 : i32
    %sign3A_8 = arith.cmpi sgt, %jit3A, %sign3A_7 : i32
    %sign3A_9 = arith.extui %sign3A_8 : i1 to i32
    %sign3A_10 = arith.constant 0 : i32
    %sign3A_11 = arith.cmpi slt, %jit3A, %sign3A_10 : i32
    %sign3A_12 = arith.extui %sign3A_11 : i1 to i32
    %sign3A_13 = arith.subi %sign3A_9, %sign3A_12 : i32
    %ne3A = arith.cmpi ne, %sign3A_6, %sign3A_13 : i32
    %rem3A = arith.remsi %add3A, %jit3A : i32
    %ne3A_14 = arith.constant 0 : i32
    %ne3A_15 = arith.cmpi ne, %rem3A, %ne3A_14 : i32
    %and3A = arith.andi %ne3A, %ne3A_15 : i1
    %sub3A = arith.constant 1 : i32
    %sub3A_16 = arith.subi %div3A, %sub3A : i32
    %select_n3A = arith.select %and3A, %sub3A_16, %div3A : i32
    %jit3A_17 = arith.constant 8 : i32
    %eq3A = arith.constant 0 : i32
    %eq3A_18 = arith.cmpi eq, %jit3A_17, %eq3A : i32
    %jit3A_19 = arith.constant 1 : i32
    %select_n3A_20 = arith.select %eq3A_18, %jit3A_19, %jit3A_17 : i32
    %rem3A_21 = arith.remsi %add3A, %select_n3A_20 : i32
    %ne3A_22 = arith.constant 0 : i32
    %ne3A_23 = arith.cmpi ne, %rem3A_21, %ne3A_22 : i32
    %lt3A = arith.constant 0 : i32
    %lt3A_24 = arith.cmpi slt, %rem3A_21, %lt3A : i32
    %lt3A_25 = arith.constant 0 : i32
    %lt3A_26 = arith.cmpi slt, %select_n3A_20, %lt3A_25 : i32
    %ne3A_27 = arith.xori %lt3A_24, %lt3A_26 : i1
    %and3A_28 = arith.andi %ne3A_27, %ne3A_23 : i1
    %add3A_29 = arith.addi %rem3A_21, %select_n3A_20 : i32
    %select_n3A_30 = arith.select %and3A_28, %add3A_29, %rem3A_21 : i32
    %mul3A_31 = arith.constant 512 : i32
    %mul3A_32 = arith.muli %select_n3A_30, %mul3A_31 : i32
    "tpu.region"() ({
      %run_scoped3A = tpu.sem_alloc : memref<!tpu.dma_semaphore, #tpu.memory_space<semaphore_mem>>
      tpu.enqueue_dma source(%arg4 : memref<16xi32, #tpu.memory_space<hbm>>) target(%arg6 : memref<16xi32, #tpu.memory_space<vmem>>) target_semaphore(%run_scoped3A : memref<!tpu.dma_semaphore, #tpu.memory_space<semaphore_mem>>)
      tpu.wait_dma2 semaphore(%run_scoped3A : memref<!tpu.dma_semaphore, #tpu.memory_space<semaphore_mem>>) src(%arg4 : memref<16xi32, #tpu.memory_space<hbm>>) dst(%arg6 : memref<16xi32, #tpu.memory_space<vmem>>)
      tpu.yield
    }) : () -> ()
    %get3A = arith.constant 0 : index
    %get3A_33 = tpu.vector_load %arg6[%get3A] {strides = array<i32>} : memref<16xi32, #tpu.memory_space<vmem>>, vector<16xi32>,
    %get3A_34 = vector.shape_cast %get3A_33 : vector<16xi32> to vector<16xi32>
    %slice3A = vector.extract_strided_slice %get3A_34 {offsets = [0], sizes = [1], strides = [1]} : vector<16xi32> to vector<1xi32>
    %squeeze3A = vector.extract %slice3A[0] : i32 from vector<1xi32>
    %scan3A = arith.constant 0 : i32
    %scan3A_35 = arith.constant 0 : i32
    %scan3A_36 = arith.constant 8 : i32
    %scan3A_37 = arith.addi %scan3A_35, %scan3A_36 : i32
    %scan3A_38 = arith.constant 1 : i32
    scf.for %scan3A_40 = %scan3A_35 to %scan3A_37 step %scan3A_38  : i32 {
      %mul3A_41 = arith.constant 64 : i32
      %mul3A_42 = arith.muli %scan3A_40, %mul3A_41 : i32
      %add3A_43 = arith.addi %mul3A_32, %mul3A_42 : i32
      %sub3A_44 = arith.subi %squeeze3A, %add3A_43 : i32
      %jit3A_45 = arith.constant 0 : i32
      %jit3A_46 = arith.constant 64 : i32
      %max3A = arith.maxsi %jit3A_45, %sub3A_44 : i32
      %min3A = arith.minsi %jit3A_46, %max3A : i32
      %add3A_47 = arith.constant 2048 : i32
      %add3A_48 = arith.addi %squeeze3A, %add3A_47 : i32
      %sub3A_49 = arith.subi %add3A_48, %add3A_43 : i32
      %jit3A_50 = arith.constant 0 : i32
      %jit3A_51 = arith.constant 64 : i32
      %max3A_52 = arith.maxsi %jit3A_50, %sub3A_49 : i32
      %min3A_53 = arith.minsi %jit3A_51, %max3A_52 : i32
      %sub3A_54 = arith.subi %min3A_53, %min3A : i32
      %and3A_55 = arith.constant 64 : i32
      %and3A_56 = arith.andi %min3A, %and3A_55 : i32
      %ne3A_57 = arith.constant 0 : i32
      %ne3A_58 = arith.cmpi ne, %and3A_56, %ne3A_57 : i32
      %convert_element_type3A = arith.extui %ne3A_58 : i1 to i32
      %cond3A = arith.constant 0 : i32
      %cond3A_59 = arith.constant 0 : i32
      %cond3A_60 = arith.constant 0 : i32
      %cond3A_61 = arith.cmpi ne, %convert_element_type3A, %cond3A_60 : i32
      scf.if %cond3A_61 {
        %add3A_321 = arith.addi %add3A_43, %cond3A : i32
        %add3A_322 = arith.addi %cond3A_59, %cond3A : i32
        %dma_start3A_323 = arith.constant 0 : i32
        %dma_start3A_324 = tpu.memref_slice %arg7[%add3A_322, %dma_start3A_323] : memref<64x1024xf32, #tpu.memory_space<vmem>> -> memref<64x1024xf32, #tpu.memory_space<vmem>>
        %dma_start3A_325 = arith.constant 0 : i32
        %dma_start3A_326 = tpu.memref_slice %arg2[%select_n3A, %add3A_321, %dma_start3A_325] : memref<4x4096x1024xf32, #tpu.memory_space<hbm>> -> memref<1x64x1024xf32, #tpu.memory_space<hbm>>
        %dma_start3A_327 = tpu.memref_squeeze %dma_start3A_326 : memref<1x64x1024xf32, #tpu.memory_space<hbm>> -> memref<64x1024xf32, #tpu.memory_space<hbm>>
        %dma_start3A_328 = arith.constant 0 : i32
        %dma_start3A_329 = tpu.memref_slice %arg7[%add3A_322, %dma_start3A_328] : memref<64x1024xf32, #tpu.memory_space<vmem>> -> memref<64x1024xf32, #tpu.memory_space<vmem>>
        %dma_start3A_330 = arith.constant 0 : i32
        %dma_start3A_331 = tpu.memref_slice %arg2[%select_n3A, %add3A_321, %dma_start3A_330] : memref<4x4096x1024xf32, #tpu.memory_space<hbm>> -> memref<1x64x1024xf32, #tpu.memory_space<hbm>>
        %dma_start3A_332 = tpu.memref_squeeze %dma_start3A_331 : memref<1x64x1024xf32, #tpu.memory_space<hbm>> -> memref<64x1024xf32, #tpu.memory_space<hbm>>
        tpu.enqueue_dma source(%dma_start3A_332 : memref<64x1024xf32, #tpu.memory_space<hbm>>) target(%dma_start3A_329 : memref<64x1024xf32, #tpu.memory_space<vmem>>) target_semaphore(%arg8 : memref<!tpu.dma_semaphore, #tpu.memory_space<semaphore_mem>>)
      } else {
      }
      %jit3A_62 = arith.constant 64 : i32
      %jit3A_63 = arith.constant 0 : i32
      %select_n3A_64 = arith.select %ne3A_58, %jit3A_62, %jit3A_63 : i32
      %add3A_65 = arith.constant 0 : i32
      %add3A_66 = arith.addi %add3A_65, %select_n3A_64 : i32
      %and3A_67 = arith.constant 32 : i32
      %and3A_68 = arith.andi %min3A, %and3A_67 : i32
      %ne3A_69 = arith.constant 0 : i32
      %ne3A_70 = arith.cmpi ne, %and3A_68, %ne3A_69 : i32
      %convert_element_type3A_71 = arith.extui %ne3A_70 : i1 to i32
      %cond3A_72 = arith.constant 0 : i32
      %cond3A_73 = arith.constant 0 : i32
      %cond3A_74 = arith.cmpi ne, %convert_element_type3A_71, %cond3A_73 : i32
      scf.if %cond3A_74 {
        %add3A_321 = arith.addi %add3A_43, %add3A_66 : i32
        %add3A_322 = arith.addi %cond3A_72, %add3A_66 : i32
        %dma_start3A_323 = arith.constant 0 : i32
        %dma_start3A_324 = tpu.memref_slice %arg7[%add3A_322, %dma_start3A_323] : memref<64x1024xf32, #tpu.memory_space<vmem>> -> memref<32x1024xf32, #tpu.memory_space<vmem>>
        %dma_start3A_325 = arith.constant 0 : i32
        %dma_start3A_326 = tpu.memref_slice %arg2[%select_n3A, %add3A_321, %dma_start3A_325] : memref<4x4096x1024xf32, #tpu.memory_space<hbm>> -> memref<1x32x1024xf32, #tpu.memory_space<hbm>>
        %dma_start3A_327 = tpu.memref_squeeze %dma_start3A_326 : memref<1x32x1024xf32, #tpu.memory_space<hbm>> -> memref<32x1024xf32, #tpu.memory_space<hbm>>
        %dma_start3A_328 = arith.constant 0 : i32
        %dma_start3A_329 = tpu.memref_slice %arg7[%add3A_322, %dma_start3A_328] : memref<64x1024xf32, #tpu.memory_space<vmem>> -> memref<32x1024xf32, #tpu.memory_space<vmem>>
        %dma_start3A_330 = arith.constant 0 : i32
        %dma_start3A_331 = tpu.memref_slice %arg2[%select_n3A, %add3A_321, %dma_start3A_330] : memref<4x4096x1024xf32, #tpu.memory_space<hbm>> -> memref<1x32x1024xf32, #tpu.memory_space<hbm>>
        %dma_start3A_332 = tpu.memref_squeeze %dma_start3A_331 : memref<1x32x1024xf32, #tpu.memory_space<hbm>> -> memref<32x1024xf32, #tpu.memory_space<hbm>>
        tpu.enqueue_dma source(%dma_start3A_332 : memref<32x1024xf32, #tpu.memory_space<hbm>>) target(%dma_start3A_329 : memref<32x1024xf32, #tpu.memory_space<vmem>>) target_semaphore(%arg8 : memref<!tpu.dma_semaphore, #tpu.memory_space<semaphore_mem>>)
      } else {
      }
      %jit3A_75 = arith.constant 32 : i32
      %jit3A_76 = arith.constant 0 : i32
      %select_n3A_77 = arith.select %ne3A_70, %jit3A_75, %jit3A_76 : i32
      %add3A_78 = arith.addi %add3A_66, %select_n3A_77 : i32
      %and3A_79 = arith.constant 16 : i32
      %and3A_80 = arith.andi %min3A, %and3A_79 : i32
      %ne3A_81 = arith.constant 0 : i32
      %ne3A_82 = arith.cmpi ne, %and3A_80, %ne3A_81 : i32
      %convert_element_type3A_83 = arith.extui %ne3A_82 : i1 to i32
      %cond3A_84 = arith.constant 0 : i32
      %cond3A_85 = arith.constant 0 : i32
      %cond3A_86 = arith.cmpi ne, %convert_element_type3A_83, %cond3A_85 : i32
      scf.if %cond3A_86 {
        %add3A_321 = arith.addi %add3A_43, %add3A_78 : i32
        %add3A_322 = arith.addi %cond3A_84, %add3A_78 : i32
        %dma_start3A_323 = arith.constant 0 : i32
        %dma_start3A_324 = tpu.memref_slice %arg7[%add3A_322, %dma_start3A_323] : memref<64x1024xf32, #tpu.memory_space<vmem>> -> memref<16x1024xf32, #tpu.memory_space<vmem>>
        %dma_start3A_325 = arith.constant 0 : i32
        %dma_start3A_326 = tpu.memref_slice %arg2[%select_n3A, %add3A_321, %dma_start3A_325] : memref<4x4096x1024xf32, #tpu.memory_space<hbm>> -> memref<1x16x1024xf32, #tpu.memory_space<hbm>>
        %dma_start3A_327 = tpu.memref_squeeze %dma_start3A_326 : memref<1x16x1024xf32, #tpu.memory_space<hbm>> -> memref<16x1024xf32, #tpu.memory_space<hbm>>
        %dma_start3A_328 = arith.constant 0 : i32
        %dma_start3A_329 = tpu.memref_slice %arg7[%add3A_322, %dma_start3A_328] : memref<64x1024xf32, #tpu.memory_space<vmem>> -> memref<16x1024xf32, #tpu.memory_space<vmem>>
        %dma_start3A_330 = arith.constant 0 : i32
        %dma_start3A_331 = tpu.memref_slice %arg2[%select_n3A, %add3A_321, %dma_start3A_330] : memref<4x4096x1024xf32, #tpu.memory_space<hbm>> -> memref<1x16x1024xf32, #tpu.memory_space<hbm>>
        %dma_start3A_332 = tpu.memref_squeeze %dma_start3A_331 : memref<1x16x1024xf32, #tpu.memory_space<hbm>> -> memref<16x1024xf32, #tpu.memory_space<hbm>>
        tpu.enqueue_dma source(%dma_start3A_332 : memref<16x1024xf32, #tpu.memory_space<hbm>>) target(%dma_start3A_329 : memref<16x1024xf32, #tpu.memory_space<vmem>>) target_semaphore(%arg8 : memref<!tpu.dma_semaphore, #tpu.memory_space<semaphore_mem>>)
      } else {
      }
      %jit3A_87 = arith.constant 16 : i32
      %jit3A_88 = arith.constant 0 : i32
      %select_n3A_89 = arith.select %ne3A_82, %jit3A_87, %jit3A_88 : i32
      %add3A_90 = arith.addi %add3A_78, %select_n3A_89 : i32
      %and3A_91 = arith.constant 8 : i32
      %and3A_92 = arith.andi %min3A, %and3A_91 : i32
      %ne3A_93 = arith.constant 0 : i32
      %ne3A_94 = arith.cmpi ne, %and3A_92, %ne3A_93 : i32
      %convert_element_type3A_95 = arith.extui %ne3A_94 : i1 to i32
      %cond3A_96 = arith.constant 0 : i32
      %cond3A_97 = arith.constant 0 : i32
      %cond3A_98 = arith.cmpi ne, %convert_element_type3A_95, %cond3A_97 : i32
      scf.if %cond3A_98 {
        %add3A_321 = arith.addi %add3A_43, %add3A_90 : i32
        %add3A_322 = arith.addi %cond3A_96, %add3A_90 : i32
        %dma_start3A_323 = arith.constant 0 : i32
        %dma_start3A_324 = tpu.memref_slice %arg7[%add3A_322, %dma_start3A_323] : memref<64x1024xf32, #tpu.memory_space<vmem>> -> memref<8x1024xf32, #tpu.memory_space<vmem>>
        %dma_start3A_325 = arith.constant 0 : i32
        %dma_start3A_326 = tpu.memref_slice %arg2[%select_n3A, %add3A_321, %dma_start3A_325] : memref<4x4096x1024xf32, #tpu.memory_space<hbm>> -> memref<1x8x1024xf32, #tpu.memory_space<hbm>>
        %dma_start3A_327 = tpu.memref_squeeze %dma_start3A_326 : memref<1x8x1024xf32, #tpu.memory_space<hbm>> -> memref<8x1024xf32, #tpu.memory_space<hbm>>
        %dma_start3A_328 = arith.constant 0 : i32
        %dma_start3A_329 = tpu.memref_slice %arg7[%add3A_322, %dma_start3A_328] : memref<64x1024xf32, #tpu.memory_space<vmem>> -> memref<8x1024xf32, #tpu.memory_space<vmem>>
        %dma_start3A_330 = arith.constant 0 : i32
        %dma_start3A_331 = tpu.memref_slice %arg2[%select_n3A, %add3A_321, %dma_start3A_330] : memref<4x4096x1024xf32, #tpu.memory_space<hbm>> -> memref<1x8x1024xf32, #tpu.memory_space<hbm>>
        %dma_start3A_332 = tpu.memref_squeeze %dma_start3A_331 : memref<1x8x1024xf32, #tpu.memory_space<hbm>> -> memref<8x1024xf32, #tpu.memory_space<hbm>>
        tpu.enqueue_dma source(%dma_start3A_332 : memref<8x1024xf32, #tpu.memory_space<hbm>>) target(%dma_start3A_329 : memref<8x1024xf32, #tpu.memory_space<vmem>>) target_semaphore(%arg8 : memref<!tpu.dma_semaphore, #tpu.memory_space<semaphore_mem>>)
      } else {
      }
      %jit3A_99 = arith.constant 8 : i32
      %jit3A_100 = arith.constant 0 : i32
      %select_n3A_101 = arith.select %ne3A_94, %jit3A_99, %jit3A_100 : i32
      %add3A_102 = arith.addi %add3A_90, %select_n3A_101 : i32
      %and3A_103 = arith.constant 4 : i32
      %and3A_104 = arith.andi %min3A, %and3A_103 : i32
      %ne3A_105 = arith.constant 0 : i32
      %ne3A_106 = arith.cmpi ne, %and3A_104, %ne3A_105 : i32
      %convert_element_type3A_107 = arith.extui %ne3A_106 : i1 to i32
      %cond3A_108 = arith.constant 0 : i32
      %cond3A_109 = arith.constant 0 : i32
      %cond3A_110 = arith.cmpi ne, %convert_element_type3A_107, %cond3A_109 : i32
      scf.if %cond3A_110 {
        %add3A_321 = arith.addi %add3A_43, %add3A_102 : i32
        %add3A_322 = arith.addi %cond3A_108, %add3A_102 : i32
        %dma_start3A_323 = arith.constant 0 : i32
        %dma_start3A_324 = tpu.memref_slice %arg7[%add3A_322, %dma_start3A_323] : memref<64x1024xf32, #tpu.memory_space<vmem>> -> memref<4x1024xf32, #tpu.memory_space<vmem>>
        %dma_start3A_325 = arith.constant 0 : i32
        %dma_start3A_326 = tpu.memref_slice %arg2[%select_n3A, %add3A_321, %dma_start3A_325] : memref<4x4096x1024xf32, #tpu.memory_space<hbm>> -> memref<1x4x1024xf32, #tpu.memory_space<hbm>>
        %dma_start3A_327 = tpu.memref_squeeze %dma_start3A_326 : memref<1x4x1024xf32, #tpu.memory_space<hbm>> -> memref<4x1024xf32, #tpu.memory_space<hbm>>
        %dma_start3A_328 = arith.constant 0 : i32
        %dma_start3A_329 = tpu.memref_slice %arg7[%add3A_322, %dma_start3A_328] : memref<64x1024xf32, #tpu.memory_space<vmem>> -> memref<4x1024xf32, #tpu.memory_space<vmem>>
        %dma_start3A_330 = arith.constant 0 : i32
        %dma_start3A_331 = tpu.memref_slice %arg2[%select_n3A, %add3A_321, %dma_start3A_330] : memref<4x4096x1024xf32, #tpu.memory_space<hbm>> -> memref<1x4x1024xf32, #tpu.memory_space<hbm>>
        %dma_start3A_332 = tpu.memref_squeeze %dma_start3A_331 : memref<1x4x1024xf32, #tpu.memory_space<hbm>> -> memref<4x1024xf32, #tpu.memory_space<hbm>>
        tpu.enqueue_dma source(%dma_start3A_332 : memref<4x1024xf32, #tpu.memory_space<hbm>>) target(%dma_start3A_329 : memref<4x1024xf32, #tpu.memory_space<vmem>>) target_semaphore(%arg8 : memref<!tpu.dma_semaphore, #tpu.memory_space<semaphore_mem>>)
      } else {
      }
      %jit3A_111 = arith.constant 4 : i32
      %jit3A_112 = arith.constant 0 : i32
      %select_n3A_113 = arith.select %ne3A_106, %jit3A_111, %jit3A_112 : i32
      %add3A_114 = arith.addi %add3A_102, %select_n3A_113 : i32
      %and3A_115 = arith.constant 2 : i32
      %and3A_116 = arith.andi %min3A, %and3A_115 : i32
      %ne3A_117 = arith.constant 0 : i32
      %ne3A_118 = arith.cmpi ne, %and3A_116, %ne3A_117 : i32
      %convert_element_type3A_119 = arith.extui %ne3A_118 : i1 to i32
      %cond3A_120 = arith.constant 0 : i32
      %cond3A_121 = arith.constant 0 : i32
      %cond3A_122 = arith.cmpi ne, %convert_element_type3A_119, %cond3A_121 : i32
      scf.if %cond3A_122 {
        %add3A_321 = arith.addi %add3A_43, %add3A_114 : i32
        %add3A_322 = arith.addi %cond3A_120, %add3A_114 : i32
        %dma_start3A_323 = arith.constant 0 : i32
        %dma_start3A_324 = tpu.memref_slice %arg7[%add3A_322, %dma_start3A_323] : memref<64x1024xf32, #tpu.memory_space<vmem>> -> memref<2x1024xf32, #tpu.memory_space<vmem>>
        %dma_start3A_325 = arith.constant 0 : i32
        %dma_start3A_326 = tpu.memref_slice %arg2[%select_n3A, %add3A_321, %dma_start3A_325] : memref<4x4096x1024xf32, #tpu.memory_space<hbm>> -> memref<1x2x1024xf32, #tpu.memory_space<hbm>>
        %dma_start3A_327 = tpu.memref_squeeze %dma_start3A_326 : memref<1x2x1024xf32, #tpu.memory_space<hbm>> -> memref<2x1024xf32, #tpu.memory_space<hbm>>
        %dma_start3A_328 = arith.constant 0 : i32
        %dma_start3A_329 = tpu.memref_slice %arg7[%add3A_322, %dma_start3A_328] : memref<64x1024xf32, #tpu.memory_space<vmem>> -> memref<2x1024xf32, #tpu.memory_space<vmem>>
        %dma_start3A_330 = arith.constant 0 : i32
        %dma_start3A_331 = tpu.memref_slice %arg2[%select_n3A, %add3A_321, %dma_start3A_330] : memref<4x4096x1024xf32, #tpu.memory_space<hbm>> -> memref<1x2x1024xf32, #tpu.memory_space<hbm>>
        %dma_start3A_332 = tpu.memref_squeeze %dma_start3A_331 : memref<1x2x1024xf32, #tpu.memory_space<hbm>> -> memref<2x1024xf32, #tpu.memory_space<hbm>>
        tpu.enqueue_dma source(%dma_start3A_332 : memref<2x1024xf32, #tpu.memory_space<hbm>>) target(%dma_start3A_329 : memref<2x1024xf32, #tpu.memory_space<vmem>>) target_semaphore(%arg8 : memref<!tpu.dma_semaphore, #tpu.memory_space<semaphore_mem>>)
      } else {
      }
      %jit3A_123 = arith.constant 2 : i32
      %jit3A_124 = arith.constant 0 : i32
      %select_n3A_125 = arith.select %ne3A_118, %jit3A_123, %jit3A_124 : i32
      %add3A_126 = arith.addi %add3A_114, %select_n3A_125 : i32
      %and3A_127 = arith.constant 1 : i32
      %and3A_128 = arith.andi %min3A, %and3A_127 : i32
      %ne3A_129 = arith.constant 0 : i32
      %ne3A_130 = arith.cmpi ne, %and3A_128, %ne3A_129 : i32
      %convert_element_type3A_131 = arith.extui %ne3A_130 : i1 to i32
      %cond3A_132 = arith.constant 0 : i32
      %cond3A_133 = arith.constant 0 : i32
      %cond3A_134 = arith.cmpi ne, %convert_element_type3A_131, %cond3A_133 : i32
      scf.if %cond3A_134 {
        %add3A_321 = arith.addi %add3A_43, %add3A_126 : i32
        %add3A_322 = arith.addi %cond3A_132, %add3A_126 : i32
        %dma_start3A_323 = arith.constant 0 : i32
        %dma_start3A_324 = tpu.memref_slice %arg7[%add3A_322, %dma_start3A_323] : memref<64x1024xf32, #tpu.memory_space<vmem>> -> memref<1x1024xf32, #tpu.memory_space<vmem>>
        %dma_start3A_325 = arith.constant 0 : i32
        %dma_start3A_326 = tpu.memref_slice %arg2[%select_n3A, %add3A_321, %dma_start3A_325] : memref<4x4096x1024xf32, #tpu.memory_space<hbm>> -> memref<1x1x1024xf32, #tpu.memory_space<hbm>>
        %dma_start3A_327 = tpu.memref_squeeze %dma_start3A_326 : memref<1x1x1024xf32, #tpu.memory_space<hbm>> -> memref<1x1024xf32, #tpu.memory_space<hbm>>
        %dma_start3A_328 = arith.constant 0 : i32
        %dma_start3A_329 = tpu.memref_slice %arg7[%add3A_322, %dma_start3A_328] : memref<64x1024xf32, #tpu.memory_space<vmem>> -> memref<1x1024xf32, #tpu.memory_space<vmem>>
        %dma_start3A_330 = arith.constant 0 : i32
        %dma_start3A_331 = tpu.memref_slice %arg2[%select_n3A, %add3A_321, %dma_start3A_330] : memref<4x4096x1024xf32, #tpu.memory_space<hbm>> -> memref<1x1x1024xf32, #tpu.memory_space<hbm>>
        %dma_start3A_332 = tpu.memref_squeeze %dma_start3A_331 : memref<1x1x1024xf32, #tpu.memory_space<hbm>> -> memref<1x1024xf32, #tpu.memory_space<hbm>>
        tpu.enqueue_dma source(%dma_start3A_332 : memref<1x1024xf32, #tpu.memory_space<hbm>>) target(%dma_start3A_329 : memref<1x1024xf32, #tpu.memory_space<vmem>>) target_semaphore(%arg8 : memref<!tpu.dma_semaphore, #tpu.memory_space<semaphore_mem>>)
      } else {
      }
      %jit3A_135 = arith.constant 1 : i32
      %jit3A_136 = arith.constant 0 : i32
      %select_n3A_137 = arith.select %ne3A_130, %jit3A_135, %jit3A_136 : i32
      %add3A_138 = arith.addi %add3A_126, %select_n3A_137 : i32
      %add3A_139 = arith.addi %add3A_43, %min3A : i32
      %sub3A_140 = arith.subi %add3A_139, %squeeze3A : i32
      %and3A_141 = arith.constant 64 : i32
      %and3A_142 = arith.andi %sub3A_54, %and3A_141 : i32
      %ne3A_143 = arith.constant 0 : i32
      %ne3A_144 = arith.cmpi ne, %and3A_142, %ne3A_143 : i32
      %convert_element_type3A_145 = arith.extui %ne3A_144 : i1 to i32
      %cond3A_146 = arith.constant 0 : i32
      %cond3A_147 = arith.constant 0 : i32
      %cond3A_148 = arith.cmpi ne, %convert_element_type3A_145, %cond3A_147 : i32
      scf.if %cond3A_148 {
        %add3A_321 = arith.addi %sub3A_140, %cond3A_146 : i32
        %add3A_322 = arith.addi %min3A, %cond3A_146 : i32
        %dma_start3A_323 = arith.constant 0 : i32
        %dma_start3A_324 = tpu.memref_slice %arg7[%add3A_322, %dma_start3A_323] : memref<64x1024xf32, #tpu.memory_space<vmem>> -> memref<64x1024xf32, #tpu.memory_space<vmem>>
        %dma_start3A_325 = arith.constant 0 : i32
        %dma_start3A_326 = tpu.memref_slice %arg3[%select_n3A, %add3A_321, %dma_start3A_325] : memref<4x2048x1024xf32, #tpu.memory_space<hbm>> -> memref<1x64x1024xf32, #tpu.memory_space<hbm>>
        %dma_start3A_327 = tpu.memref_squeeze %dma_start3A_326 : memref<1x64x1024xf32, #tpu.memory_space<hbm>> -> memref<64x1024xf32, #tpu.memory_space<hbm>>
        %dma_start3A_328 = arith.constant 0 : i32
        %dma_start3A_329 = tpu.memref_slice %arg7[%add3A_322, %dma_start3A_328] : memref<64x1024xf32, #tpu.memory_space<vmem>> -> memref<64x1024xf32, #tpu.memory_space<vmem>>
        %dma_start3A_330 = arith.constant 0 : i32
        %dma_start3A_331 = tpu.memref_slice %arg3[%select_n3A, %add3A_321, %dma_start3A_330] : memref<4x2048x1024xf32, #tpu.memory_space<hbm>> -> memref<1x64x1024xf32, #tpu.memory_space<hbm>>
        %dma_start3A_332 = tpu.memref_squeeze %dma_start3A_331 : memref<1x64x1024xf32, #tpu.memory_space<hbm>> -> memref<64x1024xf32, #tpu.memory_space<hbm>>
        tpu.enqueue_dma source(%dma_start3A_332 : memref<64x1024xf32, #tpu.memory_space<hbm>>) target(%dma_start3A_329 : memref<64x1024xf32, #tpu.memory_space<vmem>>) target_semaphore(%arg8 : memref<!tpu.dma_semaphore, #tpu.memory_space<semaphore_mem>>)
      } else {
      }
      %jit3A_149 = arith.constant 64 : i32
      %jit3A_150 = arith.constant 0 : i32
      %select_n3A_151 = arith.select %ne3A_144, %jit3A_149, %jit3A_150 : i32
      %add3A_152 = arith.constant 0 : i32
      %add3A_153 = arith.addi %add3A_152, %select_n3A_151 : i32
      %and3A_154 = arith.constant 32 : i32
      %and3A_155 = arith.andi %sub3A_54, %and3A_154 : i32
      %ne3A_156 = arith.constant 0 : i32
      %ne3A_157 = arith.cmpi ne, %and3A_155, %ne3A_156 : i32
      %convert_element_type3A_158 = arith.extui %ne3A_157 : i1 to i32
      %cond3A_159 = arith.constant 0 : i32
      %cond3A_160 = arith.cmpi ne, %convert_element_type3A_158, %cond3A_159 : i32
      scf.if %cond3A_160 {
        %add3A_321 = arith.addi %sub3A_140, %add3A_153 : i32
        %add3A_322 = arith.addi %min3A, %add3A_153 : i32
        %dma_start3A_323 = arith.constant 0 : i32
        %dma_start3A_324 = tpu.memref_slice %arg7[%add3A_322, %dma_start3A_323] : memref<64x1024xf32, #tpu.memory_space<vmem>> -> memref<32x1024xf32, #tpu.memory_space<vmem>>
        %dma_start3A_325 = arith.constant 0 : i32
        %dma_start3A_326 = tpu.memref_slice %arg3[%select_n3A, %add3A_321, %dma_start3A_325] : memref<4x2048x1024xf32, #tpu.memory_space<hbm>> -> memref<1x32x1024xf32, #tpu.memory_space<hbm>>
        %dma_start3A_327 = tpu.memref_squeeze %dma_start3A_326 : memref<1x32x1024xf32, #tpu.memory_space<hbm>> -> memref<32x1024xf32, #tpu.memory_space<hbm>>
        %dma_start3A_328 = arith.constant 0 : i32
        %dma_start3A_329 = tpu.memref_slice %arg7[%add3A_322, %dma_start3A_328] : memref<64x1024xf32, #tpu.memory_space<vmem>> -> memref<32x1024xf32, #tpu.memory_space<vmem>>
        %dma_start3A_330 = arith.constant 0 : i32
        %dma_start3A_331 = tpu.memref_slice %arg3[%select_n3A, %add3A_321, %dma_start3A_330] : memref<4x2048x1024xf32, #tpu.memory_space<hbm>> -> memref<1x32x1024xf32, #tpu.memory_space<hbm>>
        %dma_start3A_332 = tpu.memref_squeeze %dma_start3A_331 : memref<1x32x1024xf32, #tpu.memory_space<hbm>> -> memref<32x1024xf32, #tpu.memory_space<hbm>>
        tpu.enqueue_dma source(%dma_start3A_332 : memref<32x1024xf32, #tpu.memory_space<hbm>>) target(%dma_start3A_329 : memref<32x1024xf32, #tpu.memory_space<vmem>>) target_semaphore(%arg8 : memref<!tpu.dma_semaphore, #tpu.memory_space<semaphore_mem>>)
      } else {
      }
      %jit3A_161 = arith.constant 32 : i32
      %jit3A_162 = arith.constant 0 : i32
      %select_n3A_163 = arith.select %ne3A_157, %jit3A_161, %jit3A_162 : i32
      %add3A_164 = arith.addi %add3A_153, %select_n3A_163 : i32
      %and3A_165 = arith.constant 16 : i32
      %and3A_166 = arith.andi %sub3A_54, %and3A_165 : i32
      %ne3A_167 = arith.constant 0 : i32
      %ne3A_168 = arith.cmpi ne, %and3A_166, %ne3A_167 : i32
      %convert_element_type3A_169 = arith.extui %ne3A_168 : i1 to i32
      %cond3A_170 = arith.constant 0 : i32
      %cond3A_171 = arith.cmpi ne, %convert_element_type3A_169, %cond3A_170 : i32
      scf.if %cond3A_171 {
        %add3A_321 = arith.addi %sub3A_140, %add3A_164 : i32
        %add3A_322 = arith.addi %min3A, %add3A_164 : i32
        %dma_start3A_323 = arith.constant 0 : i32
        %dma_start3A_324 = tpu.memref_slice %arg7[%add3A_322, %dma_start3A_323] : memref<64x1024xf32, #tpu.memory_space<vmem>> -> memref<16x1024xf32, #tpu.memory_space<vmem>>
        %dma_start3A_325 = arith.constant 0 : i32
        %dma_start3A_326 = tpu.memref_slice %arg3[%select_n3A, %add3A_321, %dma_start3A_325] : memref<4x2048x1024xf32, #tpu.memory_space<hbm>> -> memref<1x16x1024xf32, #tpu.memory_space<hbm>>
        %dma_start3A_327 = tpu.memref_squeeze %dma_start3A_326 : memref<1x16x1024xf32, #tpu.memory_space<hbm>> -> memref<16x1024xf32, #tpu.memory_space<hbm>>
        %dma_start3A_328 = arith.constant 0 : i32
        %dma_start3A_329 = tpu.memref_slice %arg7[%add3A_322, %dma_start3A_328] : memref<64x1024xf32, #tpu.memory_space<vmem>> -> memref<16x1024xf32, #tpu.memory_space<vmem>>
        %dma_start3A_330 = arith.constant 0 : i32
        %dma_start3A_331 = tpu.memref_slice %arg3[%select_n3A, %add3A_321, %dma_start3A_330] : memref<4x2048x1024xf32, #tpu.memory_space<hbm>> -> memref<1x16x1024xf32, #tpu.memory_space<hbm>>
        %dma_start3A_332 = tpu.memref_squeeze %dma_start3A_331 : memref<1x16x1024xf32, #tpu.memory_space<hbm>> -> memref<16x1024xf32, #tpu.memory_space<hbm>>
        tpu.enqueue_dma source(%dma_start3A_332 : memref<16x1024xf32, #tpu.memory_space<hbm>>) target(%dma_start3A_329 : memref<16x1024xf32, #tpu.memory_space<vmem>>) target_semaphore(%arg8 : memref<!tpu.dma_semaphore, #tpu.memory_space<semaphore_mem>>)
      } else {
      }
      %jit3A_172 = arith.constant 16 : i32
      %jit3A_173 = arith.constant 0 : i32
      %select_n3A_174 = arith.select %ne3A_168, %jit3A_172, %jit3A_173 : i32
      %add3A_175 = arith.addi %add3A_164, %select_n3A_174 : i32
      %and3A_176 = arith.constant 8 : i32
      %and3A_177 = arith.andi %sub3A_54, %and3A_176 : i32
      %ne3A_178 = arith.constant 0 : i32
      %ne3A_179 = arith.cmpi ne, %and3A_177, %ne3A_178 : i32
      %convert_element_type3A_180 = arith.extui %ne3A_179 : i1 to i32
      %cond3A_181 = arith.constant 0 : i32
      %cond3A_182 = arith.cmpi ne, %convert_element_type3A_180, %cond3A_181 : i32
      scf.if %cond3A_182 {
        %add3A_321 = arith.addi %sub3A_140, %add3A_175 : i32
        %add3A_322 = arith.addi %min3A, %add3A_175 : i32
        %dma_start3A_323 = arith.constant 0 : i32
        %dma_start3A_324 = tpu.memref_slice %arg7[%add3A_322, %dma_start3A_323] : memref<64x1024xf32, #tpu.memory_space<vmem>> -> memref<8x1024xf32, #tpu.memory_space<vmem>>
        %dma_start3A_325 = arith.constant 0 : i32
        %dma_start3A_326 = tpu.memref_slice %arg3[%select_n3A, %add3A_321, %dma_start3A_325] : memref<4x2048x1024xf32, #tpu.memory_space<hbm>> -> memref<1x8x1024xf32, #tpu.memory_space<hbm>>
        %dma_start3A_327 = tpu.memref_squeeze %dma_start3A_326 : memref<1x8x1024xf32, #tpu.memory_space<hbm>> -> memref<8x1024xf32, #tpu.memory_space<hbm>>
        %dma_start3A_328 = arith.constant 0 : i32
        %dma_start3A_329 = tpu.memref_slice %arg7[%add3A_322, %dma_start3A_328] : memref<64x1024xf32, #tpu.memory_space<vmem>> -> memref<8x1024xf32, #tpu.memory_space<vmem>>
        %dma_start3A_330 = arith.constant 0 : i32
        %dma_start3A_331 = tpu.memref_slice %arg3[%select_n3A, %add3A_321, %dma_start3A_330] : memref<4x2048x1024xf32, #tpu.memory_space<hbm>> -> memref<1x8x1024xf32, #tpu.memory_space<hbm>>
        %dma_start3A_332 = tpu.memref_squeeze %dma_start3A_331 : memref<1x8x1024xf32, #tpu.memory_space<hbm>> -> memref<8x1024xf32, #tpu.memory_space<hbm>>
        tpu.enqueue_dma source(%dma_start3A_332 : memref<8x1024xf32, #tpu.memory_space<hbm>>) target(%dma_start3A_329 : memref<8x1024xf32, #tpu.memory_space<vmem>>) target_semaphore(%arg8 : memref<!tpu.dma_semaphore, #tpu.memory_space<semaphore_mem>>)
      } else {
      }
      %jit3A_183 = arith.constant 8 : i32
      %jit3A_184 = arith.constant 0 : i32
      %select_n3A_185 = arith.select %ne3A_179, %jit3A_183, %jit3A_184 : i32
      %add3A_186 = arith.addi %add3A_175, %select_n3A_185 : i32
      %and3A_187 = arith.constant 4 : i32
      %and3A_188 = arith.andi %sub3A_54, %and3A_187 : i32
      %ne3A_189 = arith.constant 0 : i32
      %ne3A_190 = arith.cmpi ne, %and3A_188, %ne3A_189 : i32
      %convert_element_type3A_191 = arith.extui %ne3A_190 : i1 to i32
      %cond3A_192 = arith.constant 0 : i32
      %cond3A_193 = arith.cmpi ne, %convert_element_type3A_191, %cond3A_192 : i32
      scf.if %cond3A_193 {
        %add3A_321 = arith.addi %sub3A_140, %add3A_186 : i32
        %add3A_322 = arith.addi %min3A, %add3A_186 : i32
        %dma_start3A_323 = arith.constant 0 : i32
        %dma_start3A_324 = tpu.memref_slice %arg7[%add3A_322, %dma_start3A_323] : memref<64x1024xf32, #tpu.memory_space<vmem>> -> memref<4x1024xf32, #tpu.memory_space<vmem>>
        %dma_start3A_325 = arith.constant 0 : i32
        %dma_start3A_326 = tpu.memref_slice %arg3[%select_n3A, %add3A_321, %dma_start3A_325] : memref<4x2048x1024xf32, #tpu.memory_space<hbm>> -> memref<1x4x1024xf32, #tpu.memory_space<hbm>>
        %dma_start3A_327 = tpu.memref_squeeze %dma_start3A_326 : memref<1x4x1024xf32, #tpu.memory_space<hbm>> -> memref<4x1024xf32, #tpu.memory_space<hbm>>
        %dma_start3A_328 = arith.constant 0 : i32
        %dma_start3A_329 = tpu.memref_slice %arg7[%add3A_322, %dma_start3A_328] : memref<64x1024xf32, #tpu.memory_space<vmem>> -> memref<4x1024xf32, #tpu.memory_space<vmem>>
        %dma_start3A_330 = arith.constant 0 : i32
        %dma_start3A_331 = tpu.memref_slice %arg3[%select_n3A, %add3A_321, %dma_start3A_330] : memref<4x2048x1024xf32, #tpu.memory_space<hbm>> -> memref<1x4x1024xf32, #tpu.memory_space<hbm>>
        %dma_start3A_332 = tpu.memref_squeeze %dma_start3A_331 : memref<1x4x1024xf32, #tpu.memory_space<hbm>> -> memref<4x1024xf32, #tpu.memory_space<hbm>>
        tpu.enqueue_dma source(%dma_start3A_332 : memref<4x1024xf32, #tpu.memory_space<hbm>>) target(%dma_start3A_329 : memref<4x1024xf32, #tpu.memory_space<vmem>>) target_semaphore(%arg8 : memref<!tpu.dma_semaphore, #tpu.memory_space<semaphore_mem>>)
      } else {
      }
      %jit3A_194 = arith.constant 4 : i32
      %jit3A_195 = arith.constant 0 : i32
      %select_n3A_196 = arith.select %ne3A_190, %jit3A_194, %jit3A_195 : i32
      %add3A_197 = arith.addi %add3A_186, %select_n3A_196 : i32
      %and3A_198 = arith.constant 2 : i32
      %and3A_199 = arith.andi %sub3A_54, %and3A_198 : i32
      %ne3A_200 = arith.constant 0 : i32
      %ne3A_201 = arith.cmpi ne, %and3A_199, %ne3A_200 : i32
      %convert_element_type3A_202 = arith.extui %ne3A_201 : i1 to i32
      %cond3A_203 = arith.constant 0 : i32
      %cond3A_204 = arith.cmpi ne, %convert_element_type3A_202, %cond3A_203 : i32
      scf.if %cond3A_204 {
        %add3A_321 = arith.addi %sub3A_140, %add3A_197 : i32
        %add3A_322 = arith.addi %min3A, %add3A_197 : i32
        %dma_start3A_323 = arith.constant 0 : i32
        %dma_start3A_324 = tpu.memref_slice %arg7[%add3A_322, %dma_start3A_323] : memref<64x1024xf32, #tpu.memory_space<vmem>> -> memref<2x1024xf32, #tpu.memory_space<vmem>>
        %dma_start3A_325 = arith.constant 0 : i32
        %dma_start3A_326 = tpu.memref_slice %arg3[%select_n3A, %add3A_321, %dma_start3A_325] : memref<4x2048x1024xf32, #tpu.memory_space<hbm>> -> memref<1x2x1024xf32, #tpu.memory_space<hbm>>
        %dma_start3A_327 = tpu.memref_squeeze %dma_start3A_326 : memref<1x2x1024xf32, #tpu.memory_space<hbm>> -> memref<2x1024xf32, #tpu.memory_space<hbm>>
        %dma_start3A_328 = arith.constant 0 : i32
        %dma_start3A_329 = tpu.memref_slice %arg7[%add3A_322, %dma_start3A_328] : memref<64x1024xf32, #tpu.memory_space<vmem>> -> memref<2x1024xf32, #tpu.memory_space<vmem>>
        %dma_start3A_330 = arith.constant 0 : i32
        %dma_start3A_331 = tpu.memref_slice %arg3[%select_n3A, %add3A_321, %dma_start3A_330] : memref<4x2048x1024xf32, #tpu.memory_space<hbm>> -> memref<1x2x1024xf32, #tpu.memory_space<hbm>>
        %dma_start3A_332 = tpu.memref_squeeze %dma_start3A_331 : memref<1x2x1024xf32, #tpu.memory_space<hbm>> -> memref<2x1024xf32, #tpu.memory_space<hbm>>
        tpu.enqueue_dma source(%dma_start3A_332 : memref<2x1024xf32, #tpu.memory_space<hbm>>) target(%dma_start3A_329 : memref<2x1024xf32, #tpu.memory_space<vmem>>) target_semaphore(%arg8 : memref<!tpu.dma_semaphore, #tpu.memory_space<semaphore_mem>>)
      } else {
      }
      %jit3A_205 = arith.constant 2 : i32
      %jit3A_206 = arith.constant 0 : i32
      %select_n3A_207 = arith.select %ne3A_201, %jit3A_205, %jit3A_206 : i32
      %add3A_208 = arith.addi %add3A_197, %select_n3A_207 : i32
      %and3A_209 = arith.constant 1 : i32
      %and3A_210 = arith.andi %sub3A_54, %and3A_209 : i32
      %ne3A_211 = arith.constant 0 : i32
      %ne3A_212 = arith.cmpi ne, %and3A_210, %ne3A_211 : i32
      %convert_element_type3A_213 = arith.extui %ne3A_212 : i1 to i32
      %cond3A_214 = arith.constant 0 : i32
      %cond3A_215 = arith.cmpi ne, %convert_element_type3A_213, %cond3A_214 : i32
      scf.if %cond3A_215 {
        %add3A_321 = arith.addi %sub3A_140, %add3A_208 : i32
        %add3A_322 = arith.addi %min3A, %add3A_208 : i32
        %dma_start3A_323 = arith.constant 0 : i32
        %dma_start3A_324 = tpu.memref_slice %arg7[%add3A_322, %dma_start3A_323] : memref<64x1024xf32, #tpu.memory_space<vmem>> -> memref<1x1024xf32, #tpu.memory_space<vmem>>
        %dma_start3A_325 = arith.constant 0 : i32
        %dma_start3A_326 = tpu.memref_slice %arg3[%select_n3A, %add3A_321, %dma_start3A_325] : memref<4x2048x1024xf32, #tpu.memory_space<hbm>> -> memref<1x1x1024xf32, #tpu.memory_space<hbm>>
        %dma_start3A_327 = tpu.memref_squeeze %dma_start3A_326 : memref<1x1x1024xf32, #tpu.memory_space<hbm>> -> memref<1x1024xf32, #tpu.memory_space<hbm>>
        %dma_start3A_328 = arith.constant 0 : i32
        %dma_start3A_329 = tpu.memref_slice %arg7[%add3A_322, %dma_start3A_328] : memref<64x1024xf32, #tpu.memory_space<vmem>> -> memref<1x1024xf32, #tpu.memory_space<vmem>>
        %dma_start3A_330 = arith.constant 0 : i32
        %dma_start3A_331 = tpu.memref_slice %arg3[%select_n3A, %add3A_321, %dma_start3A_330] : memref<4x2048x1024xf32, #tpu.memory_space<hbm>> -> memref<1x1x1024xf32, #tpu.memory_space<hbm>>
        %dma_start3A_332 = tpu.memref_squeeze %dma_start3A_331 : memref<1x1x1024xf32, #tpu.memory_space<hbm>> -> memref<1x1024xf32, #tpu.memory_space<hbm>>
        tpu.enqueue_dma source(%dma_start3A_332 : memref<1x1024xf32, #tpu.memory_space<hbm>>) target(%dma_start3A_329 : memref<1x1024xf32, #tpu.memory_space<vmem>>) target_semaphore(%arg8 : memref<!tpu.dma_semaphore, #tpu.memory_space<semaphore_mem>>)
      } else {
      }
      %jit3A_216 = arith.constant 1 : i32
      %jit3A_217 = arith.constant 0 : i32
      %select_n3A_218 = arith.select %ne3A_212, %jit3A_216, %jit3A_217 : i32
      %add3A_219 = arith.addi %add3A_208, %select_n3A_218 : i32
      %add3A_220 = arith.addi %add3A_43, %min3A : i32
      %add3A_221 = arith.addi %add3A_220, %sub3A_54 : i32
      %add3A_222 = arith.addi %min3A, %sub3A_54 : i32
      %sub3A_223 = arith.constant 64 : i32
      %sub3A_224 = arith.subi %sub3A_223, %min3A : i32
      %sub3A_225 = arith.subi %sub3A_224, %sub3A_54 : i32
      %and3A_226 = arith.constant 64 : i32
      %and3A_227 = arith.andi %sub3A_225, %and3A_226 : i32
      %ne3A_228 = arith.constant 0 : i32
      %ne3A_229 = arith.cmpi ne, %and3A_227, %ne3A_228 : i32
      %convert_element_type3A_230 = arith.extui %ne3A_229 : i1 to i32
      %cond3A_231 = arith.constant 0 : i32
      %cond3A_232 = arith.constant 0 : i32
      %cond3A_233 = arith.cmpi ne, %convert_element_type3A_230, %cond3A_232 : i32
      scf.if %cond3A_233 {
        %add3A_321 = arith.addi %add3A_221, %cond3A_231 : i32
        %add3A_322 = arith.addi %add3A_222, %cond3A_231 : i32
        %dma_start3A_323 = arith.constant 0 : i32
        %dma_start3A_324 = tpu.memref_slice %arg7[%add3A_322, %dma_start3A_323] : memref<64x1024xf32, #tpu.memory_space<vmem>> -> memref<64x1024xf32, #tpu.memory_space<vmem>>
        %dma_start3A_325 = arith.constant 0 : i32
        %dma_start3A_326 = tpu.memref_slice %arg2[%select_n3A, %add3A_321, %dma_start3A_325] : memref<4x4096x1024xf32, #tpu.memory_space<hbm>> -> memref<1x64x1024xf32, #tpu.memory_space<hbm>>
        %dma_start3A_327 = tpu.memref_squeeze %dma_start3A_326 : memref<1x64x1024xf32, #tpu.memory_space<hbm>> -> memref<64x1024xf32, #tpu.memory_space<hbm>>
        %dma_start3A_328 = arith.constant 0 : i32
        %dma_start3A_329 = tpu.memref_slice %arg7[%add3A_322, %dma_start3A_328] : memref<64x1024xf32, #tpu.memory_space<vmem>> -> memref<64x1024xf32, #tpu.memory_space<vmem>>
        %dma_start3A_330 = arith.constant 0 : i32
        %dma_start3A_331 = tpu.memref_slice %arg2[%select_n3A, %add3A_321, %dma_start3A_330] : memref<4x4096x1024xf32, #tpu.memory_space<hbm>> -> memref<1x64x1024xf32, #tpu.memory_space<hbm>>
        %dma_start3A_332 = tpu.memref_squeeze %dma_start3A_331 : memref<1x64x1024xf32, #tpu.memory_space<hbm>> -> memref<64x1024xf32, #tpu.memory_space<hbm>>
        tpu.enqueue_dma source(%dma_start3A_332 : memref<64x1024xf32, #tpu.memory_space<hbm>>) target(%dma_start3A_329 : memref<64x1024xf32, #tpu.memory_space<vmem>>) target_semaphore(%arg8 : memref<!tpu.dma_semaphore, #tpu.memory_space<semaphore_mem>>)
      } else {
      }
      %jit3A_234 = arith.constant 64 : i32
      %jit3A_235 = arith.constant 0 : i32
      %select_n3A_236 = arith.select %ne3A_229, %jit3A_234, %jit3A_235 : i32
      %add3A_237 = arith.constant 0 : i32
      %add3A_238 = arith.addi %add3A_237, %select_n3A_236 : i32
      %and3A_239 = arith.constant 32 : i32
      %and3A_240 = arith.andi %sub3A_225, %and3A_239 : i32
      %ne3A_241 = arith.constant 0 : i32
      %ne3A_242 = arith.cmpi ne, %and3A_240, %ne3A_241 : i32
      %convert_element_type3A_243 = arith.extui %ne3A_242 : i1 to i32
      %cond3A_244 = arith.constant 0 : i32
      %cond3A_245 = arith.cmpi ne, %convert_element_type3A_243, %cond3A_244 : i32
      scf.if %cond3A_245 {
        %add3A_321 = arith.addi %add3A_221, %add3A_238 : i32
        %add3A_322 = arith.addi %add3A_222, %add3A_238 : i32
        %dma_start3A_323 = arith.constant 0 : i32
        %dma_start3A_324 = tpu.memref_slice %arg7[%add3A_322, %dma_start3A_323] : memref<64x1024xf32, #tpu.memory_space<vmem>> -> memref<32x1024xf32, #tpu.memory_space<vmem>>
        %dma_start3A_325 = arith.constant 0 : i32
        %dma_start3A_326 = tpu.memref_slice %arg2[%select_n3A, %add3A_321, %dma_start3A_325] : memref<4x4096x1024xf32, #tpu.memory_space<hbm>> -> memref<1x32x1024xf32, #tpu.memory_space<hbm>>
        %dma_start3A_327 = tpu.memref_squeeze %dma_start3A_326 : memref<1x32x1024xf32, #tpu.memory_space<hbm>> -> memref<32x1024xf32, #tpu.memory_space<hbm>>
        %dma_start3A_328 = arith.constant 0 : i32
        %dma_start3A_329 = tpu.memref_slice %arg7[%add3A_322, %dma_start3A_328] : memref<64x1024xf32, #tpu.memory_space<vmem>> -> memref<32x1024xf32, #tpu.memory_space<vmem>>
        %dma_start3A_330 = arith.constant 0 : i32
        %dma_start3A_331 = tpu.memref_slice %arg2[%select_n3A, %add3A_321, %dma_start3A_330] : memref<4x4096x1024xf32, #tpu.memory_space<hbm>> -> memref<1x32x1024xf32, #tpu.memory_space<hbm>>
        %dma_start3A_332 = tpu.memref_squeeze %dma_start3A_331 : memref<1x32x1024xf32, #tpu.memory_space<hbm>> -> memref<32x1024xf32, #tpu.memory_space<hbm>>
        tpu.enqueue_dma source(%dma_start3A_332 : memref<32x1024xf32, #tpu.memory_space<hbm>>) target(%dma_start3A_329 : memref<32x1024xf32, #tpu.memory_space<vmem>>) target_semaphore(%arg8 : memref<!tpu.dma_semaphore, #tpu.memory_space<semaphore_mem>>)
      } else {
      }
      %jit3A_246 = arith.constant 32 : i32
      %jit3A_247 = arith.constant 0 : i32
      %select_n3A_248 = arith.select %ne3A_242, %jit3A_246, %jit3A_247 : i32
      %add3A_249 = arith.addi %add3A_238, %select_n3A_248 : i32
      %and3A_250 = arith.constant 16 : i32
      %and3A_251 = arith.andi %sub3A_225, %and3A_250 : i32
      %ne3A_252 = arith.constant 0 : i32
      %ne3A_253 = arith.cmpi ne, %and3A_251, %ne3A_252 : i32
      %convert_element_type3A_254 = arith.extui %ne3A_253 : i1 to i32
      %cond3A_255 = arith.constant 0 : i32
      %cond3A_256 = arith.cmpi ne, %convert_element_type3A_254, %cond3A_255 : i32
      scf.if %cond3A_256 {
        %add3A_321 = arith.addi %add3A_221, %add3A_249 : i32
        %add3A_322 = arith.addi %add3A_222, %add3A_249 : i32
        %dma_start3A_323 = arith.constant 0 : i32
        %dma_start3A_324 = tpu.memref_slice %arg7[%add3A_322, %dma_start3A_323] : memref<64x1024xf32, #tpu.memory_space<vmem>> -> memref<16x1024xf32, #tpu.memory_space<vmem>>
        %dma_start3A_325 = arith.constant 0 : i32
        %dma_start3A_326 = tpu.memref_slice %arg2[%select_n3A, %add3A_321, %dma_start3A_325] : memref<4x4096x1024xf32, #tpu.memory_space<hbm>> -> memref<1x16x1024xf32, #tpu.memory_space<hbm>>
        %dma_start3A_327 = tpu.memref_squeeze %dma_start3A_326 : memref<1x16x1024xf32, #tpu.memory_space<hbm>> -> memref<16x1024xf32, #tpu.memory_space<hbm>>
        %dma_start3A_328 = arith.constant 0 : i32
        %dma_start3A_329 = tpu.memref_slice %arg7[%add3A_322, %dma_start3A_328] : memref<64x1024xf32, #tpu.memory_space<vmem>> -> memref<16x1024xf32, #tpu.memory_space<vmem>>
        %dma_start3A_330 = arith.constant 0 : i32
        %dma_start3A_331 = tpu.memref_slice %arg2[%select_n3A, %add3A_321, %dma_start3A_330] : memref<4x4096x1024xf32, #tpu.memory_space<hbm>> -> memref<1x16x1024xf32, #tpu.memory_space<hbm>>
        %dma_start3A_332 = tpu.memref_squeeze %dma_start3A_331 : memref<1x16x1024xf32, #tpu.memory_space<hbm>> -> memref<16x1024xf32, #tpu.memory_space<hbm>>
        tpu.enqueue_dma source(%dma_start3A_332 : memref<16x1024xf32, #tpu.memory_space<hbm>>) target(%dma_start3A_329 : memref<16x1024xf32, #tpu.memory_space<vmem>>) target_semaphore(%arg8 : memref<!tpu.dma_semaphore, #tpu.memory_space<semaphore_mem>>)
      } else {
      }
      %jit3A_257 = arith.constant 16 : i32
      %jit3A_258 = arith.constant 0 : i32
      %select_n3A_259 = arith.select %ne3A_253, %jit3A_257, %jit3A_258 : i32
      %add3A_260 = arith.addi %add3A_249, %select_n3A_259 : i32
      %and3A_261 = arith.constant 8 : i32
      %and3A_262 = arith.andi %sub3A_225, %and3A_261 : i32
      %ne3A_263 = arith.constant 0 : i32
      %ne3A_264 = arith.cmpi ne, %and3A_262, %ne3A_263 : i32
      %convert_element_type3A_265 = arith.extui %ne3A_264 : i1 to i32
      %cond3A_266 = arith.constant 0 : i32
      %cond3A_267 = arith.cmpi ne, %convert_element_type3A_265, %cond3A_266 : i32
      scf.if %cond3A_267 {
        %add3A_321 = arith.addi %add3A_221, %add3A_260 : i32
        %add3A_322 = arith.addi %add3A_222, %add3A_260 : i32
        %dma_start3A_323 = arith.constant 0 : i32
        %dma_start3A_324 = tpu.memref_slice %arg7[%add3A_322, %dma_start3A_323] : memref<64x1024xf32, #tpu.memory_space<vmem>> -> memref<8x1024xf32, #tpu.memory_space<vmem>>
        %dma_start3A_325 = arith.constant 0 : i32
        %dma_start3A_326 = tpu.memref_slice %arg2[%select_n3A, %add3A_321, %dma_start3A_325] : memref<4x4096x1024xf32, #tpu.memory_space<hbm>> -> memref<1x8x1024xf32, #tpu.memory_space<hbm>>
        %dma_start3A_327 = tpu.memref_squeeze %dma_start3A_326 : memref<1x8x1024xf32, #tpu.memory_space<hbm>> -> memref<8x1024xf32, #tpu.memory_space<hbm>>
        %dma_start3A_328 = arith.constant 0 : i32
        %dma_start3A_329 = tpu.memref_slice %arg7[%add3A_322, %dma_start3A_328] : memref<64x1024xf32, #tpu.memory_space<vmem>> -> memref<8x1024xf32, #tpu.memory_space<vmem>>
        %dma_start3A_330 = arith.constant 0 : i32
        %dma_start3A_331 = tpu.memref_slice %arg2[%select_n3A, %add3A_321, %dma_start3A_330] : memref<4x4096x1024xf32, #tpu.memory_space<hbm>> -> memref<1x8x1024xf32, #tpu.memory_space<hbm>>
        %dma_start3A_332 = tpu.memref_squeeze %dma_start3A_331 : memref<1x8x1024xf32, #tpu.memory_space<hbm>> -> memref<8x1024xf32, #tpu.memory_space<hbm>>
        tpu.enqueue_dma source(%dma_start3A_332 : memref<8x1024xf32, #tpu.memory_space<hbm>>) target(%dma_start3A_329 : memref<8x1024xf32, #tpu.memory_space<vmem>>) target_semaphore(%arg8 : memref<!tpu.dma_semaphore, #tpu.memory_space<semaphore_mem>>)
      } else {
      }
      %jit3A_268 = arith.constant 8 : i32
      %jit3A_269 = arith.constant 0 : i32
      %select_n3A_270 = arith.select %ne3A_264, %jit3A_268, %jit3A_269 : i32
      %add3A_271 = arith.addi %add3A_260, %select_n3A_270 : i32
      %and3A_272 = arith.constant 4 : i32
      %and3A_273 = arith.andi %sub3A_225, %and3A_272 : i32
      %ne3A_274 = arith.constant 0 : i32
      %ne3A_275 = arith.cmpi ne, %and3A_273, %ne3A_274 : i32
      %convert_element_type3A_276 = arith.extui %ne3A_275 : i1 to i32
      %cond3A_277 = arith.constant 0 : i32
      %cond3A_278 = arith.cmpi ne, %convert_element_type3A_276, %cond3A_277 : i32
      scf.if %cond3A_278 {
        %add3A_321 = arith.addi %add3A_221, %add3A_271 : i32
        %add3A_322 = arith.addi %add3A_222, %add3A_271 : i32
        %dma_start3A_323 = arith.constant 0 : i32
        %dma_start3A_324 = tpu.memref_slice %arg7[%add3A_322, %dma_start3A_323] : memref<64x1024xf32, #tpu.memory_space<vmem>> -> memref<4x1024xf32, #tpu.memory_space<vmem>>
        %dma_start3A_325 = arith.constant 0 : i32
        %dma_start3A_326 = tpu.memref_slice %arg2[%select_n3A, %add3A_321, %dma_start3A_325] : memref<4x4096x1024xf32, #tpu.memory_space<hbm>> -> memref<1x4x1024xf32, #tpu.memory_space<hbm>>
        %dma_start3A_327 = tpu.memref_squeeze %dma_start3A_326 : memref<1x4x1024xf32, #tpu.memory_space<hbm>> -> memref<4x1024xf32, #tpu.memory_space<hbm>>
        %dma_start3A_328 = arith.constant 0 : i32
        %dma_start3A_329 = tpu.memref_slice %arg7[%add3A_322, %dma_start3A_328] : memref<64x1024xf32, #tpu.memory_space<vmem>> -> memref<4x1024xf32, #tpu.memory_space<vmem>>
        %dma_start3A_330 = arith.constant 0 : i32
        %dma_start3A_331 = tpu.memref_slice %arg2[%select_n3A, %add3A_321, %dma_start3A_330] : memref<4x4096x1024xf32, #tpu.memory_space<hbm>> -> memref<1x4x1024xf32, #tpu.memory_space<hbm>>
        %dma_start3A_332 = tpu.memref_squeeze %dma_start3A_331 : memref<1x4x1024xf32, #tpu.memory_space<hbm>> -> memref<4x1024xf32, #tpu.memory_space<hbm>>
        tpu.enqueue_dma source(%dma_start3A_332 : memref<4x1024xf32, #tpu.memory_space<hbm>>) target(%dma_start3A_329 : memref<4x1024xf32, #tpu.memory_space<vmem>>) target_semaphore(%arg8 : memref<!tpu.dma_semaphore, #tpu.memory_space<semaphore_mem>>)
      } else {
      }
      %jit3A_279 = arith.constant 4 : i32
      %jit3A_280 = arith.constant 0 : i32
      %select_n3A_281 = arith.select %ne3A_275, %jit3A_279, %jit3A_280 : i32
      %add3A_282 = arith.addi %add3A_271, %select_n3A_281 : i32
      %and3A_283 = arith.constant 2 : i32
      %and3A_284 = arith.andi %sub3A_225, %and3A_283 : i32
      %ne3A_285 = arith.constant 0 : i32
      %ne3A_286 = arith.cmpi ne, %and3A_284, %ne3A_285 : i32
      %convert_element_type3A_287 = arith.extui %ne3A_286 : i1 to i32
      %cond3A_288 = arith.constant 0 : i32
      %cond3A_289 = arith.cmpi ne, %convert_element_type3A_287, %cond3A_288 : i32
      scf.if %cond3A_289 {
        %add3A_321 = arith.addi %add3A_221, %add3A_282 : i32
        %add3A_322 = arith.addi %add3A_222, %add3A_282 : i32
        %dma_start3A_323 = arith.constant 0 : i32
        %dma_start3A_324 = tpu.memref_slice %arg7[%add3A_322, %dma_start3A_323] : memref<64x1024xf32, #tpu.memory_space<vmem>> -> memref<2x1024xf32, #tpu.memory_space<vmem>>
        %dma_start3A_325 = arith.constant 0 : i32
        %dma_start3A_326 = tpu.memref_slice %arg2[%select_n3A, %add3A_321, %dma_start3A_325] : memref<4x4096x1024xf32, #tpu.memory_space<hbm>> -> memref<1x2x1024xf32, #tpu.memory_space<hbm>>
        %dma_start3A_327 = tpu.memref_squeeze %dma_start3A_326 : memref<1x2x1024xf32, #tpu.memory_space<hbm>> -> memref<2x1024xf32, #tpu.memory_space<hbm>>
        %dma_start3A_328 = arith.constant 0 : i32
        %dma_start3A_329 = tpu.memref_slice %arg7[%add3A_322, %dma_start3A_328] : memref<64x1024xf32, #tpu.memory_space<vmem>> -> memref<2x1024xf32, #tpu.memory_space<vmem>>
        %dma_start3A_330 = arith.constant 0 : i32
        %dma_start3A_331 = tpu.memref_slice %arg2[%select_n3A, %add3A_321, %dma_start3A_330] : memref<4x4096x1024xf32, #tpu.memory_space<hbm>> -> memref<1x2x1024xf32, #tpu.memory_space<hbm>>
        %dma_start3A_332 = tpu.memref_squeeze %dma_start3A_331 : memref<1x2x1024xf32, #tpu.memory_space<hbm>> -> memref<2x1024xf32, #tpu.memory_space<hbm>>
        tpu.enqueue_dma source(%dma_start3A_332 : memref<2x1024xf32, #tpu.memory_space<hbm>>) target(%dma_start3A_329 : memref<2x1024xf32, #tpu.memory_space<vmem>>) target_semaphore(%arg8 : memref<!tpu.dma_semaphore, #tpu.memory_space<semaphore_mem>>)
      } else {
      }
      %jit3A_290 = arith.constant 2 : i32
      %jit3A_291 = arith.constant 0 : i32
      %select_n3A_292 = arith.select %ne3A_286, %jit3A_290, %jit3A_291 : i32
      %add3A_293 = arith.addi %add3A_282, %select_n3A_292 : i32
      %and3A_294 = arith.constant 1 : i32
      %and3A_295 = arith.andi %sub3A_225, %and3A_294 : i32
      %ne3A_296 = arith.constant 0 : i32
      %ne3A_297 = arith.cmpi ne, %and3A_295, %ne3A_296 : i32
      %convert_element_type3A_298 = arith.extui %ne3A_297 : i1 to i32
      %cond3A_299 = arith.constant 0 : i32
      %cond3A_300 = arith.cmpi ne, %convert_element_type3A_298, %cond3A_299 : i32
      scf.if %cond3A_300 {
        %add3A_321 = arith.addi %add3A_221, %add3A_293 : i32
        %add3A_322 = arith.addi %add3A_222, %add3A_293 : i32
        %dma_start3A_323 = arith.constant 0 : i32
        %dma_start3A_324 = tpu.memref_slice %arg7[%add3A_322, %dma_start3A_323] : memref<64x1024xf32, #tpu.memory_space<vmem>> -> memref<1x1024xf32, #tpu.memory_space<vmem>>
        %dma_start3A_325 = arith.constant 0 : i32
        %dma_start3A_326 = tpu.memref_slice %arg2[%select_n3A, %add3A_321, %dma_start3A_325] : memref<4x4096x1024xf32, #tpu.memory_space<hbm>> -> memref<1x1x1024xf32, #tpu.memory_space<hbm>>
        %dma_start3A_327 = tpu.memref_squeeze %dma_start3A_326 : memref<1x1x1024xf32, #tpu.memory_space<hbm>> -> memref<1x1024xf32, #tpu.memory_space<hbm>>
        %dma_start3A_328 = arith.constant 0 : i32
        %dma_start3A_329 = tpu.memref_slice %arg7[%add3A_322, %dma_start3A_328] : memref<64x1024xf32, #tpu.memory_space<vmem>> -> memref<1x1024xf32, #tpu.memory_space<vmem>>
        %dma_start3A_330 = arith.constant 0 : i32
        %dma_start3A_331 = tpu.memref_slice %arg2[%select_n3A, %add3A_321, %dma_start3A_330] : memref<4x4096x1024xf32, #tpu.memory_space<hbm>> -> memref<1x1x1024xf32, #tpu.memory_space<hbm>>
        %dma_start3A_332 = tpu.memref_squeeze %dma_start3A_331 : memref<1x1x1024xf32, #tpu.memory_space<hbm>> -> memref<1x1024xf32, #tpu.memory_space<hbm>>
        tpu.enqueue_dma source(%dma_start3A_332 : memref<1x1024xf32, #tpu.memory_space<hbm>>) target(%dma_start3A_329 : memref<1x1024xf32, #tpu.memory_space<vmem>>) target_semaphore(%arg8 : memref<!tpu.dma_semaphore, #tpu.memory_space<semaphore_mem>>)
      } else {
      }
      %jit3A_301 = arith.constant 1 : i32
      %jit3A_302 = arith.constant 0 : i32
      %select_n3A_303 = arith.select %ne3A_297, %jit3A_301, %jit3A_302 : i32
      %add3A_304 = arith.addi %add3A_293, %select_n3A_303 : i32
      %dma_wait3A = arith.constant 0 : i32
      %dma_wait3A_305 = tpu.memref_slice %arg2[%select_n3A, %mul3A_32, %dma_wait3A] : memref<4x4096x1024xf32, #tpu.memory_space<hbm>> -> memref<1x64x1024xf32, #tpu.memory_space<hbm>>
      %dma_wait3A_306 = tpu.memref_squeeze %dma_wait3A_305 : memref<1x64x1024xf32, #tpu.memory_space<hbm>> -> memref<64x1024xf32, #tpu.memory_space<hbm>>
      %dma_wait3A_307 = arith.constant 0 : i32
      %dma_wait3A_308 = tpu.memref_slice %arg2[%select_n3A, %mul3A_32, %dma_wait3A_307] : memref<4x4096x1024xf32, #tpu.memory_space<hbm>> -> memref<1x64x1024xf32, #tpu.memory_space<hbm>>
      %dma_wait3A_309 = tpu.memref_squeeze %dma_wait3A_308 : memref<1x64x1024xf32, #tpu.memory_space<hbm>> -> memref<64x1024xf32, #tpu.memory_space<hbm>>
      tpu.wait_dma2 semaphore(%arg8 : memref<!tpu.dma_semaphore, #tpu.memory_space<semaphore_mem>>) src(%dma_wait3A_309 : memref<64x1024xf32, #tpu.memory_space<hbm>>) dst(%arg7 : memref<64x1024xf32, #tpu.memory_space<vmem>>)
      %dma_start3A = arith.constant 0 : i32
      %dma_start3A_310 = tpu.memref_slice %arg5[%select_n3A, %add3A_43, %dma_start3A] : memref<4x4096x1024xf32, #tpu.memory_space<hbm>> -> memref<1x64x1024xf32, #tpu.memory_space<hbm>>
      %dma_start3A_311 = tpu.memref_squeeze %dma_start3A_310 : memref<1x64x1024xf32, #tpu.memory_space<hbm>> -> memref<64x1024xf32, #tpu.memory_space<hbm>>
      %dma_start3A_312 = arith.constant 0 : i32
      %dma_start3A_313 = tpu.memref_slice %arg5[%select_n3A, %add3A_43, %dma_start3A_312] : memref<4x4096x1024xf32, #tpu.memory_space<hbm>> -> memref<1x64x1024xf32, #tpu.memory_space<hbm>>
      %dma_start3A_314 = tpu.memref_squeeze %dma_start3A_313 : memref<1x64x1024xf32, #tpu.memory_space<hbm>> -> memref<64x1024xf32, #tpu.memory_space<hbm>>
      tpu.enqueue_dma source(%arg7 : memref<64x1024xf32, #tpu.memory_space<vmem>>) target(%dma_start3A_314 : memref<64x1024xf32, #tpu.memory_space<hbm>>) target_semaphore(%arg9 : memref<!tpu.dma_semaphore, #tpu.memory_space<semaphore_mem>>)
      %dma_wait3A_315 = arith.constant 0 : i32
      %dma_wait3A_316 = tpu.memref_slice %arg5[%select_n3A, %add3A_43, %dma_wait3A_315] : memref<4x4096x1024xf32, #tpu.memory_space<hbm>> -> memref<1x64x1024xf32, #tpu.memory_space<hbm>>
      %dma_wait3A_317 = tpu.memref_squeeze %dma_wait3A_316 : memref<1x64x1024xf32, #tpu.memory_space<hbm>> -> memref<64x1024xf32, #tpu.memory_space<hbm>>
      %dma_wait3A_318 = arith.constant 0 : i32
      %dma_wait3A_319 = tpu.memref_slice %arg5[%select_n3A, %add3A_43, %dma_wait3A_318] : memref<4x4096x1024xf32, #tpu.memory_space<hbm>> -> memref<1x64x1024xf32, #tpu.memory_space<hbm>>
      %dma_wait3A_320 = tpu.memref_squeeze %dma_wait3A_319 : memref<1x64x1024xf32, #tpu.memory_space<hbm>> -> memref<64x1024xf32, #tpu.memory_space<hbm>>
      tpu.wait_dma2 semaphore(%arg9 : memref<!tpu.dma_semaphore, #tpu.memory_space<semaphore_mem>>) src(%arg7 : memref<64x1024xf32, #tpu.memory_space<vmem>>) dst(%dma_wait3A_320 : memref<64x1024xf32, #tpu.memory_space<hbm>>)
    }
    %scan3A_39 = arith.constant 8 : i32
    return
  }
}

</mosaic_0001>

<sc_bundles>
// kernel: kernel.3.cloned.1.call-start
scs
__scs_entry_jumppad:
0x0: {  	(pc) =	sbr.rel $0x88, $3  }
0x1: {  	(tag) =	ssettag $0x0;
	lr =	simm.s32 $0x1  }
0x2: {  	[smem:$0x3F9E] =	sst lr;
	_ =	strace $0xD0000000  }
0x3: {  	_ = 	snop  }
0x4: {  	_ = 	snop  }
0x5: {  	_ = 	snop  }
0x6: {  	_ = 	snop  }
0x7: {  	_ = 	snop  }
__scs_overlays_trampoline_lowered:
0x8: {  	[smem:$0x3FAD] =	sst s0  }
0x9: {  	[smem:$0x3FAE] =	sst s1  }
0xa: {  	[smem:$0x3FAF] =	sst s2  }
0xb: {  	[smem:$0x3FB0] =	sst s3  }
0xc: {  	[smem:$0x3FB1] =	sst s4  }
0xd: {  	[smem:$0x3FB2] =	sst s5  }
0xe: {  	[smem:$0x3FB3] =	sst s6  }
0xf: {  	[smem:$0x3FB4] =	sst s7  }
0x10: {  	[smem:$0x3FB5] =	sst s8  }
0x11: {  	[smem:$0x3FB6] =	sst s9;
	s0 =	simm.s32 @!p0 $0x0  }
0x12: {  	s1 =	sld [smem:$0x3F9C];
	s0 =	simm.s32 @p0 $0x1  }
0x13: {  	[smem:$0x3FB7] =	sst s0;
	s0 =	simm.s32 @!p1 $0x0  }
0x14: {  	s2 =	sld [smem:$0x3F9B];
	s0 =	simm.s32 @p1 $0x1  }
0x15: {  	[smem:$0x3FB8] =	sst s0;
	s0 =	simm.s32 @!p2 $0x0  }
0x16: {  	s3 =	sld [smem:$0x3FDB];
	s0 =	simm.s32 @p2 $0x1  }
0x17: {  	s4 =	simm.s32 $0x1BF5;
	[smem:$0x3FBA] =	sst s0  }
0x18: {  	s0 =	sld [smem:$0x3F9D];
	_ =	swait.ge [sflag:s4], $0x0  }
0x19: {  	s7 =	sld [smem:$0x3F9E]  }
0x1a: {  	s8 =	sadd.s32 $0xFFFFE003, lr  }
0x1b: {  	s9 =	sadd.s32 $0xFFFFFEF7, lr;
	s5 =	simm.s32 $0xFFFFFFFF;
	p2 =	slt.u32 s8, $0xFFFFF086  }
0x1c: {  	p1 =	slt.u32 s9, $0xF7A;
	s5 =	simm.s32 @!p2 $0x0  }
0x1d: {  	s5 =	simm.s32 @p1 $0x1;
	p0 =	seq.s32 s7, s2  }
0x1e: {  	s7 =	smul.u32 @!p0 $0xF7A, s2;
	p2 =	seq.s32 @!p0 s5, $0x0  }
0x1f: {  	s9 =	smul.u32 $0xF7A, s1;
	s8 =	simm.s32 @!p0 $0x1BF5;
	p2 =	por !p2, p0  }
0x20: {  	[sflag:s8] =	ssyncset.s32 @!p0 $0xFFFFF086;
	s6 =	sadd.s32 @!p0 s3, s7;
	s7 =	simm.s32 @!p0 $0x108  }
0x21: {  	s3 =	sadd.s32 s3, s9;
	s6 =	sadd.s32 @!p0 $0x88, s6;
	s7 =	simm.s32 @p2 $0x1082  }
0x22: {  	[simem:s7], [sflag:s8] =	dma.local @!p0 [hbm:s6], $0xF7A  }
0x23: {  	s9 =	sor.u32 $0xD0000000, s2;
	s6 =	simm.s32 $0x108;
	_ =	swait.ge @!p0 [sflag:s8], $0x0  }
0x24: {  	s3 =	sadd.s32 $0x88, s3;
	s6 =	simm.s32 @!p1 $0x1082;
	[sflag:s4] =	ssyncset.s32 $0xFFFFF086  }
0x25: {  	[simem:s6], [sflag:s4] =	dma.local [hbm:s3], $0xF7A  }
0x26: {  	[smem:$0x3F9E] =	sst s1;
	(tag) =	ssettag s2;
	_ =	strace s9  }
0x27: {  	s1 =	sld [smem:$0x3FAE]  }
0x28: {  	s2 =	sld [smem:$0x3FAF]  }
0x29: {  	s4 =	sld [smem:$0x3FB1]  }
0x2a: {  	p0 =	seq.s32 s5, $0x0;
	s5 =	sld [smem:$0x3FB2]  }
0x2b: {  	s6 =	sld [smem:$0x3FB3]  }
0x2c: {  	s7 =	sld [smem:$0x3FB4]  }
0x2d: {  	s3 =	simm.s32 $0x108;
	s8 =	sld [smem:$0x3FB5]  }
0x2e: {  	s3 =	simm.s32 @!p0 $0x1082;
	s9 =	sld [smem:$0x3FB6]  }
0x2f: {  	lr =	sadd.s32 s0, s3;
	s0 =	sld [smem:$0x3FAD]  }
0x30: {  	s3 =	sld [smem:$0x3FB0]  }
0x31: {  	[smem:$0x3FB9] =	sst s10  }
0x32: {  	s10 =	sld [smem:$0x3FB7];
	_ =	sdelay $0x3  }
0x33: {  	p0 =	seq.s32 s10, $0x1;
	s10 =	sld [smem:$0x3FB9];
	_ =	sdelay $0x3  }
0x34: {  	[smem:$0x3FB9] =	sst s10  }
0x35: {  	s10 =	sld [smem:$0x3FB8];
	_ =	sdelay $0x3  }
0x36: {  	p1 =	seq.s32 s10, $0x1;
	s10 =	sld [smem:$0x3FB9];
	_ =	sdelay $0x3  }
0x37: {  	[smem:$0x3FB9] =	sst s10  }
0x38: {  	s10 =	sld [smem:$0x3FBA]  }
0x39: {  	_ = 	snop;
	(pc) =	sbr.ind lr, $3  }
0x3a: {  	_ = 	snop  }
0x3b: {  	_ = 	snop  }
0x3c: {  	p2 =	seq.s32 s10, $0x1;
	s10 =	sld [smem:$0x3FB9]  }
0x3d: {  	_ =	shalt  }
0x3e: {  	_ =	shalt  }
0x3f: {  	_ =	shalt  }
0x40: {  	_ =	shalt  }
0x41: {  	_ =	shalt  }
0x42: {  	_ =	shalt  }
0x43: {  	_ =	shalt  }
0x44: {  	_ =	shalt  }
0x45: {  	_ =	shalt  }
0x46: {  	_ =	shalt  }
0x47: {  	_ =	shalt  }
0x48: {  	_ =	shalt  }
0x49: {  	_ =	shalt  }
0x4a: {  	_ =	shalt  }
0x4b: {  	_ =	shalt  }
0x4c: {  	_ =	shalt  }
0x4d: {  	_ =	shalt  }
0x4e: {  	_ =	shalt  }
0x4f: {  	_ =	shalt  }
0x50: {  	_ =	shalt  }
0x51: {  	_ =	shalt  }
0x52: {  	_ =	shalt  }
0x53: {  	_ =	shalt  }
0x54: {  	_ =	shalt  }
0x55: {  	_ =	shalt  }
0x56: {  	_ =	shalt  }
0x57: {  	_ =	shalt  }
0x58: {  	_ =	shalt  }
0x59: {  	_ =	shalt  }
0x5a: {  	_ =	shalt  }
0x5b: {  	_ =	shalt  }
0x5c: {  	_ =	shalt  }
0x5d: {  	_ =	shalt  }
0x5e: {  	_ =	shalt  }
0x5f: {  	_ =	shalt  }
0x60: {  	_ =	shalt  }
0x61: {  	_ =	shalt  }
0x62: {  	_ =	shalt  }
0x63: {  	_ =	shalt  }
0x64: {  	_ =	shalt  }
0x65: {  	_ =	shalt  }
0x66: {  	_ =	shalt  }
0x67: {  	_ =	shalt  }
0x68: {  	_ =	shalt  }
0x69: {  	_ =	shalt  }
0x6a: {  	_ =	shalt  }
0x6b: {  	_ =	shalt  }
0x6c: {  	_ =	shalt  }
0x6d: {  	_ =	shalt  }
0x6e: {  	_ =	shalt  }
0x6f: {  	_ =	shalt  }
0x70: {  	_ =	shalt  }
0x71: {  	_ =	shalt  }
0x72: {  	_ =	shalt  }
0x73: {  	_ =	shalt  }
0x74: {  	_ =	shalt  }
0x75: {  	_ =	shalt  }
0x76: {  	_ =	shalt  }
0x77: {  	_ =	shalt  }
0x78: {  	_ =	shalt  }
0x79: {  	_ =	shalt  }
0x7a: {  	_ =	shalt  }
0x7b: {  	_ =	shalt  }
0x7c: {  	_ =	shalt  }
0x7d: {  	_ =	shalt  }
0x7e: {  	_ =	shalt  }
0x7f: {  	_ =	shalt  }
0x80: {  	_ =	shalt  }
0x81: {  	_ =	shalt  }
0x82: {  	_ =	shalt  }
0x83: {  	_ =	shalt  }
0x84: {  	_ =	shalt  }
0x85: {  	_ =	shalt  }
0x86: {  	_ =	shalt  }
0x87: {  	_ =	shalt  }
.Lfunc_end0:
.L_simem_size_0:
called_computation.2_lowered:
.L_overlay_start_0:
0x88: {  	s2 =	sld [smem:$0x3FD9]  }
0x89: {  	s3 =	sld [smem:$0x3FFE];
	_ =	sdelay $0x1  }
0x8a: {  	s1 =	srdreg.scid  }
0x8b: {  	s0 =	sand.u32 $0x1, s1  }
0x8c: {  	s17 =	sshll.u32 s0, $0xA;
	s2 =	sadd.s32 s3, s2  }
0x8d: {  	s2 =	sadd.s32 s2, s17  }
0x8e: {  	[smem:$0x3FC5] =	sst s2  }
0x8f: {  	_ = 	snop  }
0x90: {  	s2 =	sld [smem:$0x3FD0];
	(tm) =	ssettm $0x1  }
0x91: {  	s18 =	sld [smem:$0x3FFB];
	_ =	sdelay $0x3  }
0x92: {  	_ =	strace s18  }
0x93: {  	s3 =	sld [smem:$0x3FFC];
	_ =	sdelay $0x3  }
0x94: {  	_ =	strace s3  }
0x95: {  	s3 =	sld [smem:$0x3FFD];
	_ =	sdelay $0x3  }
0x96: {  	_ =	strace s3  }
0x97: {  	_ =	strace $0x8FFFFFFF  }
0x98: {  	s19 =	sld [smem:$0x3FDB];
	_ =	sdelay $0x1  }
0x99: {  	s4 =	simm.s32 $_scs_section_size  }
0x9a: {  	s5 =	simm.s32 $_size__tile_overlayer_lowered;
	s6 =	simm.s32 $_tile_overlayer_lowered  }
0x9b: {  	s22 =	simm.s32 $0x1BFF;
	s21 =	sshll.u32 s6, $0x1;
	s3 =	sadd.s32 s4, s19  }
0x9c: {  	s7 =	simm.s32 $0x0;
	s20 =	sshll.u32 s5, $0x1;
	s5 =	sadd.s32 s21, s3  }
0x9d: {  	[timem:s7], [sflag:s22] =	dma.local [hbm:s5], s20  }
0x9e: {  	_ =	swait.ge [sflag:s22], s20  }
0x9f: {  	s4 =	ssub.s32 $0x0, s20;
	[sflag:s22] =	ssyncset.done $0x0  }
0xa0: {  	[sflag:s22] =	ssyncadd.s32 s4;
	_ =	sdelay $0x1  }
0xa1: {  	s23 =	simm.s32 $0x1B8B  }
0xa2: {  	_ =	swait.ge [sflag:s23], $0x1  }
0xa3: {  	[sflag:s23] =	ssyncset.done $0x0  }
0xa4: {  	s25 =	simm.s32 $0x1B8E;
	s24 =	sld [smem:$0x3FFE];
	[sflag:s23] =	ssyncadd.s32 $0xFFFFFFFF  }
0xa5: {  	s26 =	simm.s32 $execute0_lowered;
	[smem:$0x3FD2] =	sst s25  }
0xa6: {  	s5 =	sshll.u32 s26, $0x1;
	_ =	strace $0x8000004C;
	[dreg:$0x1] =	wrdreg $0xFFFFFFFF  }
0xa7: {  	s28 =	simm.s32 $_size_execute0_lowered;
	s3 =	sadd.s32 s3, s5;
	[dreg:$0x0] =	wrdreg $0x0  }
0xa8: {  	s5 =	sshll.u32 s28, $0x1;
	[dreg:$0x2] =	wrdreg s3  }
0xa9: {  	[dreg:$0x3] =	wrdreg s5  }
0xaa: {  	[dreg:$0x4] =	wrdreg $0xC0  }
0xab: {  	_ =	task [dreg:s7], $0x5FFFF  }
0xac: {  	[dreg:$0x1] =	wrdreg $0xFFFFFFFF  }
0xad: {  	[dreg:$0x0] =	wrdreg $0x60  }
0xae: {  	[dreg:$0x2] =	wrdreg s2  }
0xaf: {  	[dreg:$0x3] =	wrdreg s24  }
0xb0: {  	[dreg:$0x4] =	wrdreg $0x9  }
0xb1: {  	_ =	task.clear_ibuf [dreg:s7], $0x5FFFF;
	_ =	strace $0x9000004C  }
0xb2: {  	s29 =	simm.s32 $0x9;
	_ =	strace $0x8000004E  }
0xb3: {  	_ =	swait.ge [sflag:s29], $0x1  }
0xb4: {  	[sflag:s29] =	ssyncadd.s32 $0xFFFFFFFF  }
0xb5: {  	_ =	strace $0x9000004E  }
0xb6: {  	_ =	sfence  }
0xb7: {  	s30 =	sld [smem:$0x0];
	_ =	sdelay $0x2  }
0xb8: {  	s31 =	sshll.u32 s1, $0xD;
	s1 =	sshrl.u32 s1, $0x2  }
0xb9: {  	s3 =	sand.u32 $0x4000, s31;
	s1 =	sadd.s32 s1, s30  }
0xba: {  	s0 =	sor.u32 s3, s0;
	s1 =	sshll.u32 s1, $0x11  }
0xbb: {  	s0 =	sor.u32 s1, s0  }
0xbc: {  	s0 =	sadd.s32 $0x8F2B, s0  }
0xbd: {  	[sflag:s0] =	ssyncadd.remote.s32 $0x1  }
0xbe: {  	_ =	sfence.sel $0xFFFF  }
0xbf: {  	[dreg:$0x0] =	wrdreg $0xFFFFFFFF;
	(pc) =	sbr.abs _section_cstart, $3  }
0xc0: {  	[dreg:$0x1] =	wrdreg $0xFFFFFFFF  }
0xc1: {  	_ =	task.clear_ibuf [dreg:s7], $0x2FFFF;
	_ =	strace $0x9FFFFFFF  }
0xc2: {  	(tm) =	ssettm $0x7FFFFFFF  }
0xc3: {  	_ =	shalt  }
tec
execute0_lowered:
.L_overlay_start_1:
0x0: {  	(tag) =	ssettag $0x1  }
0x1: {  	s1 =	rddreg [dreg:$0x0]  }
0x2: {  	s6 =	rddreg [dreg:$0x1]  }
0x3: {  	s3 =	simm.s32 $0x0;
	s0 =	stileid.u32;
	s4 =	srdreg.scid  }
0x4: {  	s19 =	simm.s32 $0x10;
	s20 =	simm.s32 $0x0;
	[smem:$0x7FF] =	sst s3  }
0x5: {  	s8 =	sshrl.u32 s0, $0x2;
	s13 =	sand.u32 $0x1, s4;
	s4 =	sadd.s32 $0xC00, s6  }
0x6: {  	s2 =	sadd.s32 $0x100E00, s6;
	s12 =	sand.u32 $0x3, s0;
	_ =	strace $0x8000004D  }
0x7: {  	s7 =	sshll.u32 s8, $0x13;
	s9 =	ssub.s32 $0x2, s13;
	[dreg:$0x5] =	wrdreg s2  }
0x8: {  	s10 =	sshll.u32 s13, $0x9;
	s11 =	sshll.u32 s12, $0xA;
	s15 =	sshll.u32 s12, $0x11  }
0x9: {  	s16 =	sshll.u32 s13, $0x10;
	[dreg:$0x4] =	wrdreg s19;
	s19 =	simm.s32 $0x2  }
0xa: {  	s14 =	sadd.s32 s7, s6;
	s30 =	sshrl.u32 s9, $0x1;
	s6 =	sadd.s32 s1, s7  }
0xb: {  	s7 =	sshll.u32 s8, $0x16;
	s8 =	sshll.u32 s8, $0x15;
	s12 =	sor.u32 s11, s10  }
0xc: {  	s9 =	ssub.s32 s9, s30;
	s14 =	sadd.s32 s15, s14;
	s13 =	ssub.s32 $0x0, s12  }
0xd: {  	s18 =	sadd.s32 s15, s6;
	s31 =	smax.u32 s9, $0x1;
	s17 =	sadd.s32 s16, s14  }
0xe: {  	s14 =	ssub.s32 $0x800, s12;
	s16 =	sadd.s32 s16, s18;
	s18 =	simm.s32 $0x1  }
0xf: {  	[dreg:$0x6] =	wrdreg s31;
	s15 =	sadd.s32 $0x101000, s17;
	s17 =	simm.s32 $0x3  }
.LBB2_1:
0x10: {  	s0 =	rddreg [dreg:$0x5]  }
0x11: {  	[tilespmem:s3], [sflag:$0x3] =	stream.linear.gather [hbm4b:s0+s3], $0x10, $0x38;
	[tilespmem:$0x10010] =	vst v63  }
0x12: {  	_ =	swait.ge [sflag:s17], $0x10  }
0x13: {  	[sflag:s17] =	ssyncset.done $0x0  }
0x14: {  	[sflag:s17] =	ssyncadd.s32 $0xFFFFFFF0  }
0x15: {  	v0 =	vld [tilespmem:$0x0];
	_ =	sdelay $0x4  }
0x16: {  	(v2sf) =	vpush v0, $0x0;
	_ =	sdelay $0xe  }
0x17: {  	s23 =	smov.u32 s16;
	s22 =	spop (v2sf)  }
0x18: {  	s24 =	smov.u32 s15;
	s25 =	simm.s32 $0x0;
	s21 =	ssub.s32 $0x0, s22  }
0x19: {  	[dreg:$0x3] =	wrdreg s21;
	s21 =	sadd.s32 s22, s13;
	s22 =	sadd.s32 s22, s14  }
.LBB2_2:
0x1a: {  	s26 =	sadd.s32 $0xFFFFF800, s22  }
0x1b: {  	p0 =	sgt.s32 s26, $0x0  }
0x1c: {  	p1 =	slt.s32 s26, $0x40;
	s26 =	simm.s32 @!p0 $0x0  }
0x1d: {  	s29 =	simm.s32 @!p1 $0x10;
	s28 =	smin.u32 s26, $0x40;
	s26 =	simm.s32 @!p1 $0x0  }
0x1e: {  	[tilespmem:s29], [sflag:$0x1] =	stream.linear.gather @!p1 [hbm4b:s23+s26], $0x10000, $0x38;
	[tilespmem:$0x10010] =	vst v63  }
0x1f: {  	s5 =	sand.u32 $0x20, s28  }
0x20: {  	s26 =	simm.s32 @!p1 $0x40;
	p0 =	seq.s32 s5, $0x0  }
0x21: {  	s26 =	simm.s32 @p1 $0x0;
	s30 =	sadd.s32 @!p0 s25, s12  }
0x22: {  	s30 =	sadd.s32 @!p0 s26, s30  }
0x23: {  	s31 =	sshll.u32 @!p0 s26, $0xA;
	s30 =	sshll.u32 @!p0 s30, $0x7  }
0x24: {  	s0 =	simm.s32 @!p0 $0x0;
	s31 =	sor.u32 @!p0 $0x10, s31;
	s30 =	sadd.s32 @!p0 s30, s6  }
0x25: {  	[tilespmem:s31], [sflag:$0x1] =	stream.linear.gather @!p0 [hbm4b:s30+s0], $0x8000, $0x38;
	[tilespmem:$0x10010] =	vst v63  }
0x26: {  	s9 =	sand.u32 $0x10, s28;
	p0 =	sgt.s32 s21, $0x0;
	s0 =	smov.u32 s21  }
0x27: {  	s0 =	simm.s32 @!p0 $0x0;
	p0 =	seq.s32 s9, $0x0  }
0x28: {  	s31 =	smin.u32 s0, $0x40;
	s0 =	sadd.s32 @!p0 s25, s12  }
0x29: {  	s2 =	sand.u32 $0x20, s31;
	s0 =	sadd.s32 @!p0 s26, s0  }
0x2a: {  	s29 =	sor.u32 s5, s26;
	s0 =	sadd.s32 @!p0 s2, s0  }
0x2b: {  	s2 =	sshll.u32 @!p0 s29, $0xA;
	s0 =	sshll.u32 @!p0 s0, $0x7  }
0x2c: {  	s5 =	simm.s32 @!p0 $0x0;
	s2 =	sor.u32 @!p0 $0x10, s2;
	s0 =	sadd.s32 @!p0 s0, s6  }
0x2d: {  	[tilespmem:s2], [sflag:$0x1] =	stream.linear.gather @!p0 [hbm4b:s0+s5], $0x4000, $0x38;
	[tilespmem:$0x10010] =	vst v63  }
0x2e: {  	s0 =	sand.u32 $0x8, s28  }
0x2f: {  	p0 =	seq.s32 s0, $0x0  }
0x30: {  	s2 =	sadd.s32 @!p0 s25, s12  }
0x31: {  	s5 =	sand.u32 $0x30, s31;
	s2 =	sadd.s32 @!p0 s26, s2  }
0x32: {  	s29 =	sor.u32 s9, s29;
	s2 =	sadd.s32 @!p0 s5, s2  }
0x33: {  	s9 =	sand.u32 $0x4, s28;
	s5 =	sshll.u32 @!p0 s29, $0xA;
	s2 =	sshll.u32 @!p0 s2, $0x7  }
0x34: {  	s30 =	simm.s32 @!p0 $0x0;
	s5 =	sor.u32 @!p0 $0x10, s5;
	s2 =	sadd.s32 @!p0 s2, s6  }
0x35: {  	[tilespmem:s5], [sflag:$0x1] =	stream.linear.gather @!p0 [hbm4b:s2+s30], $0x2000, $0x38;
	[tilespmem:$0x10010] =	vst v63  }
0x36: {  	p0 =	seq.s32 s9, $0x0  }
0x37: {  	s5 =	sadd.s32 @!p0 s25, s12  }
0x38: {  	s30 =	sand.u32 $0x38, s31;
	s5 =	sadd.s32 @!p0 s26, s5  }
0x39: {  	s0 =	sor.u32 s0, s29;
	s5 =	sadd.s32 @!p0 s30, s5  }
0x3a: {  	s29 =	sshll.u32 @!p0 s0, $0xA;
	s5 =	sshll.u32 @!p0 s5, $0x7  }
0x3b: {  	s29 =	sor.u32 @!p0 $0x10, s29;
	s30 =	simm.s32 @!p0 $0x0;
	s5 =	sadd.s32 @!p0 s5, s6  }
0x3c: {  	[tilespmem:s29], [sflag:$0x1] =	stream.linear.gather @!p0 [hbm4b:s5+s30], $0x1000, $0x38;
	[tilespmem:$0x10010] =	vst v63  }
0x3d: {  	s5 =	sand.u32 $0x2, s28  }
0x3e: {  	p0 =	seq.s32 s5, $0x0  }
0x3f: {  	s29 =	sadd.s32 @!p0 s25, s12  }
0x40: {  	s30 =	sand.u32 $0x3C, s31;
	s29 =	sadd.s32 @!p0 s26, s29  }
0x41: {  	s29 =	sadd.s32 @!p0 s30, s29  }
0x42: {  	s29 =	sshll.u32 @!p0 s29, $0xA  }
0x43: {  	s0 =	sor.u32 s9, s0;
	s2 =	sadd.s32 @!p0 s7, s29  }
0x44: {  	s29 =	sshll.u32 @!p0 s0, $0xA;
	s2 =	sshrl.u32 @!p0 s2, $0x3  }
0x45: {  	s30 =	simm.s32 @!p0 $0x0;
	s29 =	sor.u32 @!p0 $0x10, s29;
	s2 =	sadd.s32 @!p0 s1, s2  }
0x46: {  	[tilespmem:s29], [sflag:$0x1] =	stream.linear.gather @!p0 [hbm4b:s2+s30], $0x800, $0x38;
	[tilespmem:$0x10010] =	vst v63  }
0x47: {  	s30 =	sand.u32 $0x1, s28  }
0x48: {  	p1 =	seq.s32 s30, $0x0  }
0x49: {  	s2 =	sadd.s32 @!p1 s25, s12  }
0x4a: {  	s29 =	sand.u32 $0x3E, s31;
	s2 =	sadd.s32 @!p1 s26, s2  }
0x4b: {  	s9 =	rddreg [dreg:$0x3];
	p0 =	sgt.s32 s22, $0x0;
	s2 =	sadd.s32 @!p1 s29, s2  }
0x4c: {  	s0 =	sor.u32 @!p1 s5, s0;
	s26 =	smov.u32 s22;
	s2 =	sshll.u32 @!p1 s2, $0xA  }
0x4d: {  	s5 =	simm.s32 @!p1 $0x0;
	s26 =	simm.s32 @!p0 $0x0;
	s2 =	sadd.s32 @!p1 s7, s2  }
0x4e: {  	s0 =	sshll.u32 @!p1 s0, $0xA;
	s26 =	smin.u32 s26, $0x40;
	s2 =	sshrl.u32 @!p1 s2, $0x3  }
0x4f: {  	s0 =	sor.u32 @!p1 $0x10, s0;
	s29 =	ssub.s32 s26, s28;
	s2 =	sadd.s32 @!p1 s1, s2  }
0x50: {  	[tilespmem:s0], [sflag:$0x1] =	stream.linear.gather @!p1 [hbm4b:s2+s5], $0x400, $0x38;
	[tilespmem:$0x10010] =	vst v63  }
0x51: {  	s30 =	sadd.s32 s31, s9;
	s9 =	sadd.s32 s25, s12;
	s2 =	sand.u32 $0x40, s29  }
0x52: {  	s0 =	sadd.s32 s30, s9;
	p1 =	seq.s32 s2, $0x0  }
0x53: {  	s0 =	sshll.u32 @!p1 s0, $0xA  }
0x54: {  	s0 =	sadd.s32 @!p1 s8, s0  }
0x55: {  	s5 =	sshll.u32 @!p1 s28, $0xA;
	s0 =	sshrl.u32 @!p1 s0, $0x3  }
0x56: {  	s9 =	simm.s32 @!p1 $0x0;
	s5 =	sor.u32 @!p1 $0x10, s5;
	s0 =	sadd.s32 @!p1 s4, s0  }
0x57: {  	[tilespmem:s5], [sflag:$0x1] =	stream.linear.gather @!p1 [hbm4b:s0+s9], $0x10000, $0x38;
	[tilespmem:$0x10010] =	vst v63  }
0x58: {  	s31 =	ssub.s32 s26, s31;
	s5 =	sand.u32 $0x20, s29  }
0x59: {  	s9 =	sand.u32 $0x40, s31;
	p1 =	seq.s32 s5, $0x0  }
0x5a: {  	s0 =	sadd.s32 s9, s30;
	s5 =	sadd.s32 @!p1 s25, s12  }
0x5b: {  	s0 =	sadd.s32 @!p1 s0, s5  }
0x5c: {  	s0 =	sshll.u32 @!p1 s0, $0xA  }
0x5d: {  	s2 =	sadd.s32 @!p1 s28, s2;
	s0 =	sadd.s32 @!p1 s8, s0  }
0x5e: {  	s2 =	sshll.u32 @!p1 s2, $0xA;
	s0 =	sshrl.u32 @!p1 s0, $0x3  }
0x5f: {  	s5 =	simm.s32 @!p1 $0x0;
	s2 =	sor.u32 @!p1 $0x10, s2;
	s0 =	sadd.s32 @!p1 s4, s0  }
0x60: {  	[tilespmem:s2], [sflag:$0x1] =	stream.linear.gather @!p1 [hbm4b:s0+s5], $0x8000, $0x38;
	[tilespmem:$0x10010] =	vst v63  }
0x61: {  	s5 =	sand.u32 $0x10, s29  }
0x62: {  	s9 =	sand.u32 $0x60, s31;
	p1 =	seq.s32 s5, $0x0  }
0x63: {  	s0 =	sadd.s32 s9, s30;
	s2 =	sadd.s32 @!p1 s25, s12  }
0x64: {  	s0 =	sadd.s32 @!p1 s0, s2  }
0x65: {  	s2 =	sand.u32 @!p1 $0x60, s29;
	s0 =	sshll.u32 @!p1 s0, $0xA  }
0x66: {  	s2 =	sadd.s32 @!p1 s28, s2;
	s0 =	sadd.s32 @!p1 s8, s0  }
0x67: {  	s2 =	sshll.u32 @!p1 s2, $0xA;
	s0 =	sshrl.u32 @!p1 s0, $0x3  }
0x68: {  	s5 =	simm.s32 @!p1 $0x0;
	s2 =	sor.u32 @!p1 $0x10, s2;
	s0 =	sadd.s32 @!p1 s4, s0  }
0x69: {  	[tilespmem:s2], [sflag:$0x1] =	stream.linear.gather @!p1 [hbm4b:s0+s5], $0x4000, $0x38;
	[tilespmem:$0x10010] =	vst v63  }
0x6a: {  	s5 =	sand.u32 $0x8, s29  }
0x6b: {  	s9 =	sand.u32 $0x70, s31;
	p1 =	seq.s32 s5, $0x0  }
0x6c: {  	s0 =	sadd.s32 s9, s30;
	s2 =	sadd.s32 @!p1 s25, s12  }
0x6d: {  	s0 =	sadd.s32 @!p1 s0, s2  }
0x6e: {  	s2 =	sand.u32 @!p1 $0x70, s29;
	s0 =	sshll.u32 @!p1 s0, $0xA  }
0x6f: {  	s2 =	sadd.s32 @!p1 s28, s2;
	s0 =	sadd.s32 @!p1 s8, s0  }
0x70: {  	s2 =	sshll.u32 @!p1 s2, $0xA;
	s0 =	sshrl.u32 @!p1 s0, $0x3  }
0x71: {  	s5 =	simm.s32 @!p1 $0x0;
	s2 =	sor.u32 @!p1 $0x10, s2;
	s0 =	sadd.s32 @!p1 s4, s0  }
0x72: {  	[tilespmem:s2], [sflag:$0x1] =	stream.linear.gather @!p1 [hbm4b:s0+s5], $0x2000, $0x38;
	[tilespmem:$0x10010] =	vst v63  }
0x73: {  	s5 =	sand.u32 $0x4, s29  }
0x74: {  	s9 =	sand.u32 $0x78, s31;
	p1 =	seq.s32 s5, $0x0  }
0x75: {  	s0 =	sadd.s32 s9, s30;
	s2 =	sadd.s32 @!p1 s25, s12  }
0x76: {  	s0 =	sadd.s32 @!p1 s0, s2  }
0x77: {  	s2 =	sand.u32 @!p1 $0x78, s29;
	s0 =	sshll.u32 @!p1 s0, $0xA  }
0x78: {  	s2 =	sadd.s32 @!p1 s28, s2;
	s0 =	sadd.s32 @!p1 s8, s0  }
0x79: {  	s2 =	sshll.u32 @!p1 s2, $0xA;
	s0 =	sshrl.u32 @!p1 s0, $0x3  }
0x7a: {  	s5 =	simm.s32 @!p1 $0x0;
	s2 =	sor.u32 @!p1 $0x10, s2;
	s0 =	sadd.s32 @!p1 s4, s0  }
0x7b: {  	[tilespmem:s2], [sflag:$0x1] =	stream.linear.gather @!p1 [hbm4b:s0+s5], $0x1000, $0x38;
	[tilespmem:$0x10010] =	vst v63  }
0x7c: {  	s5 =	sand.u32 $0x2, s29  }
0x7d: {  	s9 =	sand.u32 $0x7C, s31;
	p1 =	seq.s32 s5, $0x0  }
0x7e: {  	s0 =	sadd.s32 s9, s30;
	s2 =	sadd.s32 @!p1 s25, s12  }
0x7f: {  	s0 =	sadd.s32 @!p1 s0, s2  }
0x80: {  	s2 =	sand.u32 @!p1 $0x7C, s29;
	s0 =	sshll.u32 @!p1 s0, $0xA  }
0x81: {  	s2 =	sadd.s32 @!p1 s28, s2;
	s0 =	sadd.s32 @!p1 s8, s0  }
0x82: {  	s2 =	sshll.u32 @!p1 s2, $0xA;
	s0 =	sshrl.u32 @!p1 s0, $0x3  }
0x83: {  	s5 =	simm.s32 @!p1 $0x0;
	s2 =	sor.u32 @!p1 $0x10, s2;
	s0 =	sadd.s32 @!p1 s4, s0  }
0x84: {  	[tilespmem:s2], [sflag:$0x1] =	stream.linear.gather @!p1 [hbm4b:s0+s5], $0x800, $0x38;
	[tilespmem:$0x10010] =	vst v63  }
0x85: {  	s5 =	sand.u32 $0x1, s29  }
0x86: {  	s9 =	sand.u32 $0x7E, s31;
	p1 =	seq.s32 s5, $0x0  }
0x87: {  	s0 =	sadd.s32 s9, s30;
	s2 =	sadd.s32 @!p1 s25, s12  }
0x88: {  	s0 =	sadd.s32 @!p1 s0, s2  }
0x89: {  	s2 =	sand.u32 @!p1 $0x7E, s29;
	s0 =	sshll.u32 @!p1 s0, $0xA  }
0x8a: {  	s30 =	sadd.s32 s25, s10;
	s2 =	sadd.s32 @!p1 s28, s2;
	s0 =	sadd.s32 @!p1 s8, s0  }
0x8b: {  	s5 =	simm.s32 @!p1 $0x0;
	s2 =	sshll.u32 @!p1 s2, $0xA;
	s0 =	sshrl.u32 @!p1 s0, $0x3  }
0x8c: {  	s29 =	sadd.s32 s26, s11;
	s2 =	sor.u32 @!p1 $0x10, s2;
	s0 =	sadd.s32 @!p1 s4, s0  }
0x8d: {  	[tilespmem:s2], [sflag:$0x1] =	stream.linear.gather @!p1 [hbm4b:s0+s5], $0x400, $0x38;
	[tilespmem:$0x10010] =	vst v63  }
0x8e: {  	s9 =	simm.s32 @!p0 $0x0;
	s28 =	ssub.s32 $0x40, s26;
	s0 =	sadd.s32 s29, s30  }
0x8f: {  	s31 =	sand.u32 $0x20, s28;
	s5 =	sshll.u32 @!p0 s26, $0xA;
	s0 =	sshll.u32 @!p0 s0, $0x7  }
0x90: {  	p1 =	seq.s32 s31, $0x0;
	s5 =	sor.u32 @!p0 $0x10, s5;
	s0 =	sadd.s32 @!p0 s0, s6  }
0x91: {  	[tilespmem:s5], [sflag:$0x1] =	stream.linear.gather @!p0 [hbm4b:s0+s9], $0x10000, $0x38;
	[tilespmem:$0x10010] =	vst v63  }
0x92: {  	s29 =	simm.s32 @!p0 $0x40;
	s0 =	sadd.s32 @!p1 s26, s12  }
0x93: {  	s29 =	simm.s32 @p0 $0x0;
	s0 =	sadd.s32 @!p1 s25, s0  }
0x94: {  	s30 =	simm.s32 @!p1 $0x0;
	s5 =	sadd.s32 @!p1 s26, s29;
	s0 =	sadd.s32 @!p1 s29, s0  }
0x95: {  	s9 =	sand.u32 $0x10, s28;
	s5 =	sshll.u32 @!p1 s5, $0xA;
	s0 =	sshll.u32 @!p1 s0, $0x7  }
0x96: {  	p0 =	seq.s32 s9, $0x0;
	s5 =	sor.u32 @!p1 $0x10, s5;
	s0 =	sadd.s32 @!p1 s0, s6  }
0x97: {  	[tilespmem:s5], [sflag:$0x1] =	stream.linear.gather @!p1 [hbm4b:s0+s30], $0x8000, $0x38;
	[tilespmem:$0x10010] =	vst v63  }
0x98: {  	s0 =	sadd.s32 @!p0 s25, s12  }
0x99: {  	s2 =	sor.u32 s31, s29;
	s5 =	sadd.s32 s31, s26;
	s0 =	sadd.s32 @!p0 s29, s0  }
0x9a: {  	s30 =	sadd.s32 @!p0 s26, s2;
	s0 =	sadd.s32 @!p0 s5, s0  }
0x9b: {  	s30 =	sshll.u32 @!p0 s30, $0xA;
	s0 =	sshll.u32 @!p0 s0, $0x7  }
0x9c: {  	s31 =	simm.s32 @!p0 $0x0;
	s30 =	sor.u32 @!p0 $0x10, s30;
	s0 =	sadd.s32 @!p0 s0, s6  }
0x9d: {  	[tilespmem:s30], [sflag:$0x1] =	stream.linear.gather @!p0 [hbm4b:s0+s31], $0x4000, $0x38;
	[tilespmem:$0x10010] =	vst v63  }
0x9e: {  	s0 =	sand.u32 $0x8, s28  }
0x9f: {  	p0 =	seq.s32 s0, $0x0  }
0xa0: {  	s30 =	sadd.s32 @!p0 s25, s12  }
0xa1: {  	s2 =	sor.u32 s9, s2;
	s5 =	sadd.s32 s9, s5;
	s9 =	sadd.s32 @!p0 s29, s30  }
0xa2: {  	s30 =	sadd.s32 @!p0 s26, s2;
	s9 =	sadd.s32 @!p0 s5, s9  }
0xa3: {  	s30 =	sshll.u32 @!p0 s30, $0xA;
	s9 =	sshll.u32 @!p0 s9, $0x7  }
0xa4: {  	s31 =	simm.s32 @!p0 $0x0;
	s30 =	sor.u32 @!p0 $0x10, s30;
	s9 =	sadd.s32 @!p0 s9, s6  }
0xa5: {  	[tilespmem:s30], [sflag:$0x1] =	stream.linear.gather @!p0 [hbm4b:s9+s31], $0x2000, $0x38;
	[tilespmem:$0x10010] =	vst v63  }
0xa6: {  	s9 =	sand.u32 $0x4, s28  }
0xa7: {  	p0 =	seq.s32 s9, $0x0  }
0xa8: {  	s30 =	sadd.s32 @!p0 s25, s12  }
0xa9: {  	s5 =	sadd.s32 s0, s5;
	s0 =	sor.u32 s0, s2;
	s2 =	sadd.s32 @!p0 s29, s30  }
0xaa: {  	s30 =	sadd.s32 @!p0 s26, s0;
	s2 =	sadd.s32 @!p0 s5, s2  }
0xab: {  	s30 =	sshll.u32 @!p0 s30, $0xA;
	s2 =	sshll.u32 @!p0 s2, $0x7  }
0xac: {  	s31 =	simm.s32 @!p0 $0x0;
	s30 =	sor.u32 @!p0 $0x10, s30;
	s2 =	sadd.s32 @!p0 s2, s6  }
0xad: {  	[tilespmem:s30], [sflag:$0x1] =	stream.linear.gather @!p0 [hbm4b:s2+s31], $0x1000, $0x38;
	[tilespmem:$0x10010] =	vst v63  }
0xae: {  	s2 =	sand.u32 $0x2, s28  }
0xaf: {  	p0 =	seq.s32 s2, $0x0  }
0xb0: {  	s30 =	sadd.s32 @!p0 s25, s12  }
0xb1: {  	s5 =	sadd.s32 s9, s5;
	s30 =	sadd.s32 @!p0 s29, s30  }
0xb2: {  	s30 =	sadd.s32 @!p0 s5, s30  }
0xb3: {  	s0 =	sor.u32 s9, s0;
	s9 =	sshll.u32 @!p0 s30, $0xA  }
0xb4: {  	s30 =	sadd.s32 @!p0 s26, s0;
	s9 =	sadd.s32 @!p0 s7, s9  }
0xb5: {  	s30 =	sshll.u32 @!p0 s30, $0xA;
	s9 =	sshrl.u32 @!p0 s9, $0x3  }
0xb6: {  	s31 =	simm.s32 @!p0 $0x0;
	s30 =	sor.u32 @!p0 $0x10, s30;
	s9 =	sadd.s32 @!p0 s1, s9  }
0xb7: {  	[tilespmem:s30], [sflag:$0x1] =	stream.linear.gather @!p0 [hbm4b:s9+s31], $0x800, $0x38;
	[tilespmem:$0x10010] =	vst v63  }
0xb8: {  	s30 =	sand.u32 $0x1, s28  }
0xb9: {  	p0 =	seq.s32 s30, $0x0  }
0xba: {  	s9 =	sadd.s32 @!p0 s25, s12  }
0xbb: {  	s5 =	sadd.s32 s2, s5;
	s9 =	sadd.s32 @!p0 s29, s9  }
0xbc: {  	s5 =	sadd.s32 @!p0 s5, s9  }
0xbd: {  	s0 =	sor.u32 @!p0 s2, s0;
	s2 =	sshll.u32 @!p0 s5, $0xA  }
0xbe: {  	s0 =	sadd.s32 @!p0 s26, s0;
	s2 =	sadd.s32 @!p0 s7, s2  }
0xbf: {  	s0 =	sshll.u32 @!p0 s0, $0xA;
	s2 =	sshrl.u32 @!p0 s2, $0x3  }
0xc0: {  	s0 =	sor.u32 @!p0 $0x10, s0;
	s5 =	simm.s32 @!p0 $0x0;
	s2 =	sadd.s32 @!p0 s1, s2  }
0xc1: {  	[tilespmem:s0], [sflag:$0x1] =	stream.linear.gather @!p0 [hbm4b:s2+s5], $0x400, $0x38;
	[tilespmem:$0x10010] =	vst v63  }
0xc2: {  	s25 =	sadd.s32 $0x40, s25;
	_ =	swait.ge [sflag:s18], $0x10000  }
0xc3: {  	p0 =	sne.s32 s25, $0x200;
	[sflag:s18] =	ssyncset.done $0x0  }
.Ltmp0:
0xc4: {  	s31 =	rddreg [dreg:$0x4];
	[sflag:s18] =	ssyncadd.s32 $0xFFFF0000;
	(pc) =	sbr.rel @p0 .LBB2_2-.Ltmp0, $4  }
0xc5: {  	[hbm4b:s24+s3] =	stream.linear.scatter [tilespmem:s31], [sflag:$0x2], $0x10000, $0x38;
	[tilespmem:$0x10010] =	vst v63  }
0xc6: {  	_ =	swait.ge [sflag:s19], $0x10000  }
0xc7: {  	s23 =	sadd.s32 $0x2000, s23;
	s21 =	sadd.s32 $0xFFFFFFC0, s21;
	[sflag:s19] =	ssyncset.done $0x0  }
0xc8: {  	s22 =	sadd.s32 $0xFFFFFFC0, s22;
	s24 =	sadd.s32 $0x2000, s24;
	[sflag:s19] =	ssyncadd.s32 $0xFFFF0000  }
0xc9: {  	s20 =	sadd.s32 $0x1, s20;
	s0 =	rddreg [dreg:$0x6]  }
0xca: {  	p0 =	sne.s32 s20, s0  }
.Ltmp1:
0xcb: {  	_ = 	snop;
	(pc) =	sbr.rel @p0 .LBB2_1-.Ltmp1, $1  }
0xcc: {  	_ =	sdelay $0x3  }
0xcd: {  	_ =	sfence.sel $0x180000  }
0xce: {  	[bflag:$0x0] =	sbarrier.arrive $0xFFFF  }
0xcf: {  	_ =	strace $0x9000004D  }
0xd0: {  	s0 =	stileid.u32;
	[bflag:$0x2] =	sbarrier.arrive $0xFFFF  }
0xd1: {  	p0 =	sne.s32 s0, $0x0;
	s0 =	rddreg [dreg:$0x2]  }
0xd2: {  	s0 =	sadd.s32 @!p0 $0x100000, s0  }
0xd3: {  	[sflag:s0] =	ssyncadd.tile.s32 @!p0 $0x1;
	_ =	shalt  }
.Lfunc_end2:
_tile_overlayer_lowered:
.L_overlay_start_2:
0xd4: {  	(tag) =	ssettag $0x2  }
0xd5: {  	s0 =	rddreg [dreg:$0x0];
	s2 =	stileid.u32  }
0xd6: {  	s1 =	rddreg [dreg:$0x1];
	p0 =	sne.s32 s2, $0x0  }
0xd7: {  	s3 =	rddreg [dreg:$0x2];
	[bflag:$0x3] =	sbarrier.arrive $0xFFFF;
	s2 =	simm.s32 @!p0 $0x1C03  }
0xd8: {  	[timem:s3], [sflag:s2] =	dma.local @!p0 [hbm:s0], s1  }
0xd9: {  	s0 =	simm.s32 @!p0 $0x3  }
0xda: {  	_ =	swait.ge @!p0 [sflag:s0], s1  }
0xdb: {  	s1 =	ssub.s32 @!p0 $0x0, s1;
	[sflag:s0] =	ssyncset.done @!p0 $0x0  }
0xdc: {  	[sflag:s0] =	ssyncadd.s32 @!p0 s1  }
0xdd: {  	[bflag:$0x3] =	sbarrier.arrive $0xFFFF  }
0xde: {  	_ =	shalt  }

// kernel: sparse-core-data-format-call.1.cloned.1.call-start
scs
called_computation.1_lowered:
.L_overlay_start_0:
0x0: {  	s2 =	sld [smem:$0x3FD9]  }
0x1: {  	s3 =	sld [smem:$0x3FFE];
	_ =	sdelay $0x1  }
0x2: {  	s1 =	srdreg.scid  }
0x3: {  	s0 =	sand.u32 $0x1, s1  }
0x4: {  	s19 =	sshll.u32 s0, $0xA;
	s2 =	sadd.s32 s3, s2  }
0x5: {  	s2 =	sadd.s32 s2, s19  }
0x6: {  	[smem:$0x3FC5] =	sst s2  }
0x7: {  	_ = 	snop  }
0x8: {  	s20 =	sld [smem:$0x3FC9]  }
0x9: {  	s4 =	sld [smem:$0x3FD0];
	(tm) =	ssettm $0x1  }
0xa: {  	s21 =	sld [smem:$0x3FFB];
	_ =	sdelay $0x3  }
0xb: {  	_ =	strace s21  }
0xc: {  	s2 =	sld [smem:$0x3FFC];
	_ =	sdelay $0x3  }
0xd: {  	_ =	strace s2  }
0xe: {  	s2 =	sld [smem:$0x3FFD];
	_ =	sdelay $0x3  }
0xf: {  	_ =	strace s2  }
0x10: {  	_ =	strace $0x8FFFFFFF  }
0x11: {  	s22 =	sld [smem:$0x3FDB];
	_ =	sdelay $0x1  }
0x12: {  	s5 =	simm.s32 $_scs_section_size  }
0x13: {  	s6 =	simm.s32 $_size__tile_overlayer_lowered;
	s7 =	simm.s32 $_tile_overlayer_lowered  }
0x14: {  	s8 =	simm.s32 $0x1BFF;
	s23 =	sshll.u32 s7, $0x1;
	s5 =	sadd.s32 s5, s22  }
0x15: {  	s24 =	simm.s32 $0x0;
	s6 =	sshll.u32 s6, $0x1;
	s7 =	sadd.s32 s23, s5  }
0x16: {  	[timem:s24], [sflag:s8] =	dma.local [hbm:s7], s6  }
0x17: {  	_ =	swait.ge [sflag:s8], s6  }
0x18: {  	s6 =	ssub.s32 $0x0, s6;
	[sflag:s8] =	ssyncset.done $0x0  }
0x19: {  	[sflag:s8] =	ssyncadd.s32 s6;
	_ =	sdelay $0x1  }
0x1a: {  	s25 =	simm.s32 $0x1B8B  }
0x1b: {  	_ =	swait.ge [sflag:s25], $0x1  }
0x1c: {  	[sflag:s25] =	ssyncset.done $0x0  }
0x1d: {  	[sflag:s25] =	ssyncadd.s32 $0xFFFFFFFF  }
0x1e: {  	s6 =	sld [smem:$0x0]  }
0x1f: {  	s7 =	sand.u32 $0xFFFFFFFE, s1  }
0x20: {  	p0 =	sne.s32 s1, s7  }
0x21: {  	s7 =	sshll.u32 @p0 s7, $0xE  }
0x22: {  	s7 =	sadd.s32 @p0 $0x11B8D, s7;
	s8 =	sshll.u32 @p0 s6, $0x11  }
0x23: {  	s7 =	sor.u32 @p0 s8, s7  }
0x24: {  	[sflag:s7] =	ssyncadd.remote.s32 @p0 $0x1;
	_ =	sdelay $0x1  }
0x25: {  	s7 =	simm.s32 @p0 $0x1B8D  }
0x26: {  	_ =	swait.eq @p0 [sflag:s7], $0x1  }
0x27: {  	[sflag:s7] =	ssyncadd.s32 @p0 $0xFFFFFFFF  }
0x28: {  	s8 =	sshll.u32 @!p0 s1, $0xE  }
0x29: {  	s8 =	sor.u32 @!p0 $0x4000, s8;
	s7 =	simm.s32 @!p0 $0x1B8D  }
0x2a: {  	s6 =	sshll.u32 @!p0 s6, $0x11;
	s8 =	sadd.s32 @!p0 $0x11B8D, s8;
	_ =	swait.eq @!p0 [sflag:s7], $0x1  }
0x2b: {  	s6 =	sor.u32 @!p0 s6, s8;
	[sflag:s7] =	ssyncadd.s32 @!p0 $0xFFFFFFFF  }
0x2c: {  	s26 =	simm.s32 $0x1B8E;
	[sflag:s6] =	ssyncadd.remote.s32 @!p0 $0x1  }
0x2d: {  	s27 =	simm.s32 $execute0_lowered;
	[smem:$0x3FD2] =	sst s26  }
0x2e: {  	s6 =	sshll.u32 s27, $0x1;
	_ =	strace $0x80000049;
	[dreg:$0x1] =	wrdreg $0xFFFFFFFF  }
0x2f: {  	s28 =	simm.s32 $_size_execute0_lowered;
	s5 =	sadd.s32 s5, s6;
	[dreg:$0x0] =	wrdreg $0x0  }
0x30: {  	s6 =	sshll.u32 s28, $0x1;
	[dreg:$0x2] =	wrdreg s5  }
0x31: {  	[dreg:$0x3] =	wrdreg s6  }
0x32: {  	[dreg:$0x4] =	wrdreg $0xC0  }
0x33: {  	_ =	task [dreg:s24], $0x5FFFF  }
0x34: {  	[dreg:$0x1] =	wrdreg $0xFFFFFFFF  }
0x35: {  	[dreg:$0x0] =	wrdreg $0x60  }
0x36: {  	[dreg:$0x2] =	wrdreg s20  }
0x37: {  	[dreg:$0x3] =	wrdreg s4  }
0x38: {  	[dreg:$0x4] =	wrdreg $0xA  }
0x39: {  	_ =	task.clear_ibuf [dreg:s24], $0x5FFFF;
	_ =	strace $0x90000049  }
0x3a: {  	s29 =	simm.s32 $0xA;
	_ =	strace $0x8000004B  }
0x3b: {  	_ =	swait.ge [sflag:s29], $0x1  }
0x3c: {  	[sflag:s29] =	ssyncadd.s32 $0xFFFFFFFF  }
0x3d: {  	_ =	strace $0x9000004B  }
0x3e: {  	_ =	sfence  }
0x3f: {  	s30 =	sld [smem:$0x0];
	_ =	sdelay $0x2  }
0x40: {  	s31 =	sshll.u32 s1, $0xD;
	s1 =	sshrl.u32 s1, $0x2  }
0x41: {  	s4 =	sand.u32 $0x4000, s31;
	s1 =	sadd.s32 s1, s30  }
0x42: {  	s0 =	sor.u32 s4, s0;
	s1 =	sshll.u32 s1, $0x11  }
0x43: {  	s0 =	sor.u32 s1, s0  }
0x44: {  	s0 =	sadd.s32 $0x8F2B, s0  }
0x45: {  	[sflag:s0] =	ssyncadd.remote.s32 $0x1  }
0x46: {  	_ =	sfence.sel $0xFFFF  }
0x47: {  	[dreg:$0x0] =	wrdreg $0xFFFFFFFF;
	(pc) =	sbr.abs _section_cstart, $3  }
0x48: {  	[dreg:$0x1] =	wrdreg $0xFFFFFFFF  }
0x49: {  	_ =	task.clear_ibuf [dreg:s24], $0x2FFFF;
	_ =	strace $0x9FFFFFFF  }
0x4a: {  	(tm) =	ssettm $0x7FFFFFFF  }
0x4b: {  	_ =	shalt  }
tec
execute0_lowered:
.L_overlay_start_1:
0x0: {  	(tag) =	ssettag $0x1  }
0x1: {  	s0 =	srdreg.scid  }
0x2: {  	s1 =	sshll.u32 s0, $0x4  }
0x3: {  	s2 =	rddreg [dreg:$0x0];
	s0 =	stileid.u32;
	s1 =	sand.u32 $0x10, s1  }
0x4: {  	s4 =	rddreg [dreg:$0x1];
	s1 =	sor.u32 s0, s1  }
0x5: {  	s7 =	simm.s32 $0x1;
	s8 =	simm.s32 $0x2;
	s3 =	sshll.u32 s1, $0x1  }
0x6: {  	s9 =	simm.s32 $0x0;
	s12 =	simm.s32 $0x0;
	s6 =	ssub.s32 $0x800, s3  }
.Ltmp0:
0x7: {  	s11 =	simm.s32 $0x0;
	s5 =	sand.u32 $0x3E, s6;
	(pc) =	sbr.rel .LBB1_1-.Ltmp0, $4  }
0x8: {  	s1 =	rddreg [dreg:$0x2];
	_ =	strace $0x8000004A;
	p0 =	sne.s32 s5, $0x0  }
0x9: {  	s6 =	sshrl.u32 s6, $0x6;
	s5 =	simm.s32 $0x1;
	s7 =	simm.s32 @!p0 $0x0  }
0xa: {  	s10 =	smov.u32 s3;
	[sflag:s5] =	ssyncpa.u1 $0x0;
	s6 =	sadd.s32 s7, s6  }
0xb: {  	[sflag:s8] =	ssyncpa.u1 $0x0;
	s8 =	simm.s32 $0x0;
	s7 =	sadd.s32 $0x1, s6  }
.LBB1_9:
0xc: {  	s14 =	sadd.s32 $0x40, s10  }
0xd: {  	p1 =	sgt.s32 s14, $0x7FF  }
0xe: {  	s14 =	smov.u32 @p1 s3;
	p1 =	sne.s32 s11, s7  }
.Ltmp1:
0xf: {  	p0 =	slt.u32 s11, $0x2;
	(pc) =	sbr.rel @!p1 .LBB1_10-.Ltmp1, $4  }
0x10: {  	s13 =	simm.s32 @!p0 $0x2  }
0x11: {  	s15 =	sadd.s32 $0x1, s11;
	_ =	swait.ge @!p0 [sflag:s13], $0x4000  }
0x12: {  	s12 =	smov.u32 s10;
	s9 =	sadd.s32 $0x4000, s9;
	[sflag:s13] =	ssyncset.done @!p0 $0x0  }
0x13: {  	s11 =	smov.u32 s15;
	s10 =	smov.u32 s14;
	[sflag:s13] =	ssyncadd.s32 @!p0 $0xFFFFC000  }
.LBB1_1:
0x14: {  	p0 =	sge.u32 s11, s6  }
0x15: {  	s13 =	sxor.u32 @!p0 $0xFFFFFFFF, s11  }
0x16: {  	s31 =	sadd.s32 $0xFFFFFFFF, s11;
	s14 =	sshll.u32 @!p0 s10, $0xA;
	s13 =	sshll.u32 @!p0 s13, $0xE  }
0x17: {  	s15 =	simm.s32 @!p0 $0x0;
	s14 =	sadd.s32 @!p0 s2, s14;
	s13 =	sand.u32 @!p0 $0x4000, s13  }
0x18: {  	[tilespmem:s13], [sflag:$0x1] =	stream.linear.gather @!p0 [hbm4b:s14+s15], $0x4000, $0x38;
	[tilespmem:$0x10000] =	vst v63  }
0x19: {  	p0 =	sge.u32 s31, s6  }
.Ltmp2:
0x1a: {  	_ = 	snop;
	(pc) =	sbr.rel @p0 .LBB1_9-.Ltmp2, $1  }
0x1b: {  	_ =	sdelay $0x3  }
0x1c: {  	s13 =	sshll.u32 s9, $0x2  }
0x1d: {  	_ =	swait.ge [sflag:s5], $0x4000;
	s14 =	sshll.u32 s11, $0xE;
	s16 =	simm.s32 $0x0  }
0x1e: {  	p1 =	por $0x1, $0x1;
	s13 =	sand.u32 $0x10000, s13;
	[sflag:s5] =	ssyncset.done $0x0  }
0x1f: {  	s14 =	sand.u32 $0x4000, s14;
	s15 =	sshrl.u32 s13, $0x2;
	[sflag:s5] =	ssyncadd.s32 $0xFFFFC000  }
0x20: {  	s13 =	sor.u32 $0x8000, s14;
	s14 =	sadd.s32 $0x8040, s15;
	s15 =	sadd.s32 $0x40, s15  }
.LBB1_3:
0x21: {  	s16 =	sshll.u32 s16, $0x2  }
0x22: {  	p0 =	por p1, p1;
	s17 =	sshra.s32 s16, $0x2  }
0x23: {  	s18 =	simm.s32 $0x0;
	s16 =	sadd.s32 s17, s14;
	s17 =	sadd.s32 s17, s15  }
.LBB1_4:
0x24: {  	v0 =	vmov s17;
	_ =	sdelay $0x3  }
0x25: {  	s20 =	simm.s32 $0x0  }
0x26: {  	v6 =	vld.idx.msk [tilespmem:v0+s20+$0x30 ss:$0x1], $0xffff  }
0x27: {  	v7 =	vld.idx.msk [tilespmem:v0+s20+$0xFFFFFFC0 ss:$0x1], $0xffff  }
0x28: {  	v5 =	vld.idx.msk [tilespmem:v0+s20+$0xFFFFFFD0 ss:$0x1], $0xffff  }
0x29: {  	v4 =	vld.idx.msk [tilespmem:v0+s20+$0xFFFFFFE0 ss:$0x1], $0xffff  }
0x2a: {  	v3 =	vld.idx.msk [tilespmem:v0+s20+$0xFFFFFFF0 ss:$0x1], $0xffff  }
0x2b: {  	v1 =	vld.idx.msk [tilespmem:v0+s20+$0x0 ss:$0x1], $0xffff  }
0x2c: {  	v2 =	vld.idx.msk [tilespmem:v0+s20+$0x10 ss:$0x1], $0xffff;
	[tilespmem:s16+$0x30] =	vst v6  }
0x2d: {  	s19 =	simm.s32 $0x80;
	s21 =	simm.s32 $0x400;
	[tilespmem:s16+$0xFFFFFFC0] =	vst v7;
	v6 =	vld.idx.msk [tilespmem:v0+s20+$0x20 ss:$0x1], $0xffff;
	s20 =	smov.u32 s16  }
.LBB1_5:
0x2e: {  	p1 =	sne.s32 s21, $0xE00;
	v7 =	vld.idx.msk [tilespmem:v0+s19+$0x30 ss:$0x1], $0xffff;
	[tilespmem:s20+$0xFFFFFFD0] =	vst v5  }
0x2f: {  	v8 =	vld.idx.msk [tilespmem:v0+s19+$0xFFFFFFC0 ss:$0x1], $0xffff;
	[tilespmem:s20+$0xFFFFFFE0] =	vst v4  }
0x30: {  	v5 =	vld.idx.msk [tilespmem:v0+s19+$0xFFFFFFD0 ss:$0x1], $0xffff;
	[tilespmem:s20+$0xFFFFFFF0] =	vst v3  }
.Ltmp3:
0x31: {  	v4 =	vld.idx.msk [tilespmem:v0+s19+$0xFFFFFFE0 ss:$0x1], $0xffff;
	[tilespmem:s20+$0x0] =	vst v1;
	(pc) =	sbr.rel @p1 .LBB1_5-.Ltmp3, $4  }
0x32: {  	v3 =	vld.idx.msk [tilespmem:v0+s19+$0xFFFFFFF0 ss:$0x1], $0xffff;
	[tilespmem:s20+$0x10] =	vst v2  }
0x33: {  	v1 =	vld.idx.msk [tilespmem:v0+s19+$0x0 ss:$0x1], $0xffff;
	[tilespmem:s20+$0x20] =	vst v6;
	s20 =	sadd.s32 $0x400, s20  }
0x34: {  	v2 =	vld.idx.msk [tilespmem:v0+s19+$0x10 ss:$0x1], $0xffff;
	[tilespmem:s20+$0x30] =	vst v7  }
0x35: {  	[tilespmem:s20+$0xFFFFFFC0] =	vst v8;
	v6 =	vld.idx.msk [tilespmem:v0+s19+$0x20 ss:$0x1], $0xffff;
	s19 =	sshra.s32 s21, $0x2;
	s21 =	sadd.s32 $0x200, s21  }
0x36: {  	_ =	sdelay $0x2  }
0x37: {  	[tilespmem:s20+$0xFFFFFFD0] =	vst v5  }
0x38: {  	v56 =	vld.idx.msk [tilespmem:v0+s19+$0x30 ss:$0x1], $0xffff;
	[tilespmem:s20+$0xFFFFFFE0] =	vst v4  }
0x39: {  	v57 =	vld.idx.msk [tilespmem:v0+s19+$0xFFFFFFC0 ss:$0x1], $0xffff;
	[tilespmem:s20+$0xFFFFFFF0] =	vst v3  }
0x3a: {  	v58 =	vld.idx.msk [tilespmem:v0+s19+$0xFFFFFFD0 ss:$0x1], $0xffff;
	[tilespmem:s20+$0x0] =	vst v1  }
0x3b: {  	v59 =	vld.idx.msk [tilespmem:v0+s19+$0xFFFFFFE0 ss:$0x1], $0xffff;
	[tilespmem:s20+$0x10] =	vst v2  }
0x3c: {  	v60 =	vld.idx.msk [tilespmem:v0+s19+$0xFFFFFFF0 ss:$0x1], $0xffff;
	s31 =	sadd.s32 $0x400, s20;
	[tilespmem:s20+$0x20] =	vst v6  }
0x3d: {  	v61 =	vld.idx.msk [tilespmem:v0+s19+$0x0 ss:$0x1], $0xffff;
	[tilespmem:s31+$0x30] =	vst v56  }
0x3e: {  	v62 =	vld.idx.msk [tilespmem:v0+s19+$0x10 ss:$0x1], $0xffff;
	s18 =	sadd.s32 $0x1, s18;
	[tilespmem:s31+$0xFFFFFFC0] =	vst v57  }
0x3f: {  	v63 =	vld.idx.msk [tilespmem:v0+s19+$0x20 ss:$0x1], $0xffff;
	p1 =	sne.s32 s18, $0x8;
	[tilespmem:s31+$0xFFFFFFD0] =	vst v58  }
.Ltmp4:
0x40: {  	[tilespmem:s31+$0xFFFFFFE0] =	vst v59;
	(pc) =	sbr.rel @p1 .LBB1_4-.Ltmp4, $4  }
0x41: {  	[tilespmem:s31+$0xFFFFFFF0] =	vst v60  }
0x42: {  	[tilespmem:s31+$0x0] =	vst v61  }
0x43: {  	[tilespmem:s31+$0x10] =	vst v62  }
0x44: {  	s16 =	sadd.s32 $0x80, s16;
	s17 =	sadd.s32 $0x400, s17;
	[tilespmem:s31+$0x20] =	vst v63  }
.Ltmp5:
0x45: {  	(pc) =	sbr.rel @p0 .LBB1_3-.Ltmp5, $2  }
0x46: {  	_ =	sdelay $0x2  }
0x47: {  	s16 =	simm.s32 $0x2000;
	p1 =	por $0x0, $0x0  }
.Ltmp6:
0x48: {  	(pc) =	sbr.rel .LBB1_9-.Ltmp6, $4  }
0x49: {  	_ = 	snop  }
0x4a: {  	s12 =	sshll.u32 s12, $0xA  }
0x4b: {  	s12 =	sadd.s32 s4, s12  }
0x4c: {  	[hbm4b:s12+s8] =	stream.linear.scatter [tilespmem:s13], [sflag:$0x2], $0x4000, $0x38;
	[tilespmem:$0x10000] =	vst v63  }
.LBB1_10:
0x4d: {  	_ =	sfence.sel $0x180000  }
0x4e: {  	s2 =	simm.s32 $0x1;
	[bflag:$0x0] =	sbarrier.arrive $0xFFFF  }
0x4f: {  	s31 =	simm.s32 $0x2;
	[sflag:s2] =	ssyncpa.u1 $0x1  }
0x50: {  	[sflag:s31] =	ssyncpa.u1 $0x1  }
0x51: {  	p0 =	sne.s32 s0, $0x0;
	_ =	strace $0x9000004A  }
0x52: {  	s0 =	sadd.s32 @!p0 $0x100000, s1;
	[bflag:$0x2] =	sbarrier.arrive $0xFFFF  }
0x53: {  	[sflag:s0] =	ssyncadd.tile.s32 @!p0 $0x1;
	_ =	shalt  }
.Lfunc_end1:
_tile_overlayer_lowered:
.L_overlay_start_2:
0x54: {  	(tag) =	ssettag $0x2  }
0x55: {  	s0 =	rddreg [dreg:$0x0];
	s2 =	stileid.u32  }
0x56: {  	s1 =	rddreg [dreg:$0x1];
	p0 =	sne.s32 s2, $0x0  }
0x57: {  	s3 =	rddreg [dreg:$0x2];
	[bflag:$0x3] =	sbarrier.arrive $0xFFFF;
	s2 =	simm.s32 @!p0 $0x1C01  }
0x58: {  	[timem:s3], [sflag:s2] =	dma.local @!p0 [hbm:s0], s1  }
0x59: {  	s0 =	simm.s32 @!p0 $0x1  }
0x5a: {  	_ =	swait.ge @!p0 [sflag:s0], s1  }
0x5b: {  	s1 =	ssub.s32 @!p0 $0x0, s1;
	[sflag:s0] =	ssyncset.done @!p0 $0x0  }
0x5c: {  	[sflag:s0] =	ssyncadd.s32 @!p0 s1  }
0x5d: {  	[bflag:$0x3] =	sbarrier.arrive $0xFFFF  }
0x5e: {  	_ =	shalt  }

// kernel: sparse-core-data-format-call.cloned.1.call-start
scs
called_computation_lowered:
.L_overlay_start_0:
0x0: {  	s2 =	sld [smem:$0x3FD9]  }
0x1: {  	s3 =	sld [smem:$0x3FFE];
	_ =	sdelay $0x1  }
0x2: {  	s1 =	srdreg.scid  }
0x3: {  	s0 =	sand.u32 $0x1, s1  }
0x4: {  	s18 =	sshll.u32 s0, $0xA;
	s2 =	sadd.s32 s3, s2  }
0x5: {  	s2 =	sadd.s32 s2, s18  }
0x6: {  	[smem:$0x3FC5] =	sst s2  }
0x7: {  	_ = 	snop  }
0x8: {  	s2 =	sld [smem:$0x3FC8];
	(tm) =	ssettm $0x1  }
0x9: {  	s19 =	sld [smem:$0x3FFB];
	_ =	sdelay $0x3  }
0xa: {  	_ =	strace s19  }
0xb: {  	s3 =	sld [smem:$0x3FFC];
	_ =	sdelay $0x3  }
0xc: {  	_ =	strace s3  }
0xd: {  	s3 =	sld [smem:$0x3FFD];
	_ =	sdelay $0x3  }
0xe: {  	_ =	strace s3  }
0xf: {  	_ =	strace $0x8FFFFFFF  }
0x10: {  	s20 =	sld [smem:$0x3FDB];
	_ =	sdelay $0x1  }
0x11: {  	s4 =	simm.s32 $_scs_section_size  }
0x12: {  	s5 =	simm.s32 $_size__tile_overlayer_lowered;
	s6 =	simm.s32 $_tile_overlayer_lowered  }
0x13: {  	s23 =	simm.s32 $0x1BFF;
	s22 =	sshll.u32 s6, $0x1;
	s3 =	sadd.s32 s4, s20  }
0x14: {  	s7 =	simm.s32 $0x0;
	s21 =	sshll.u32 s5, $0x1;
	s5 =	sadd.s32 s22, s3  }
0x15: {  	[timem:s7], [sflag:s23] =	dma.local [hbm:s5], s21  }
0x16: {  	_ =	swait.ge [sflag:s23], s21  }
0x17: {  	s4 =	ssub.s32 $0x0, s21;
	[sflag:s23] =	ssyncset.done $0x0  }
0x18: {  	[sflag:s23] =	ssyncadd.s32 s4;
	_ =	sdelay $0x1  }
0x19: {  	s24 =	simm.s32 $0x1B8B  }
0x1a: {  	_ =	swait.ge [sflag:s24], $0x1  }
0x1b: {  	[sflag:s24] =	ssyncset.done $0x0  }
0x1c: {  	s26 =	simm.s32 $0x1B8E;
	s25 =	sld [smem:$0x3FFE];
	[sflag:s24] =	ssyncadd.s32 $0xFFFFFFFF  }
0x1d: {  	s27 =	simm.s32 $execute0_lowered;
	[smem:$0x3FD2] =	sst s26  }
0x1e: {  	s5 =	sshll.u32 s27, $0x1;
	_ =	strace $0x80000046;
	[dreg:$0x1] =	wrdreg $0xFFFFFFFF  }
0x1f: {  	s28 =	simm.s32 $_size_execute0_lowered;
	s3 =	sadd.s32 s3, s5;
	[dreg:$0x0] =	wrdreg $0x0  }
0x20: {  	s5 =	sshll.u32 s28, $0x1;
	[dreg:$0x2] =	wrdreg s3  }
0x21: {  	[dreg:$0x3] =	wrdreg s5  }
0x22: {  	[dreg:$0x4] =	wrdreg $0xC0  }
0x23: {  	_ =	task [dreg:s7], $0x5FFFF  }
0x24: {  	[dreg:$0x1] =	wrdreg $0xFFFFFFFF  }
0x25: {  	[dreg:$0x0] =	wrdreg $0x60  }
0x26: {  	[dreg:$0x2] =	wrdreg s2  }
0x27: {  	[dreg:$0x3] =	wrdreg s25  }
0x28: {  	[dreg:$0x4] =	wrdreg $0x9  }
0x29: {  	_ =	task.clear_ibuf [dreg:s7], $0x5FFFF;
	_ =	strace $0x90000046  }
0x2a: {  	s29 =	simm.s32 $0x9;
	_ =	strace $0x80000048  }
0x2b: {  	_ =	swait.ge [sflag:s29], $0x1  }
0x2c: {  	[sflag:s29] =	ssyncadd.s32 $0xFFFFFFFF  }
0x2d: {  	_ =	strace $0x90000048  }
0x2e: {  	_ =	sfence  }
0x2f: {  	s30 =	sld [smem:$0x0];
	_ =	sdelay $0x2  }
0x30: {  	s31 =	sshll.u32 s1, $0xD;
	s1 =	sshrl.u32 s1, $0x2  }
0x31: {  	s3 =	sand.u32 $0x4000, s31;
	s1 =	sadd.s32 s1, s30  }
0x32: {  	s0 =	sor.u32 s3, s0;
	s1 =	sshll.u32 s1, $0x11  }
0x33: {  	s0 =	sor.u32 s1, s0  }
0x34: {  	s0 =	sadd.s32 $0x8F2B, s0  }
0x35: {  	[sflag:s0] =	ssyncadd.remote.s32 $0x1  }
0x36: {  	_ =	sfence.sel $0xFFFF  }
0x37: {  	[dreg:$0x0] =	wrdreg $0xFFFFFFFF;
	(pc) =	sbr.abs _section_cstart, $3  }
0x38: {  	[dreg:$0x1] =	wrdreg $0xFFFFFFFF  }
0x39: {  	_ =	task.clear_ibuf [dreg:s7], $0x2FFFF;
	_ =	strace $0x9FFFFFFF  }
0x3a: {  	(tm) =	ssettm $0x7FFFFFFF  }
0x3b: {  	_ =	shalt  }
tec
execute0_lowered:
.L_overlay_start_1:
0x0: {  	(tag) =	ssettag $0x1  }
0x1: {  	s0 =	srdreg.scid  }
0x2: {  	s1 =	sshll.u32 s0, $0x4  }
0x3: {  	s2 =	rddreg [dreg:$0x0];
	s0 =	stileid.u32;
	s1 =	sand.u32 $0x10, s1  }
0x4: {  	s4 =	rddreg [dreg:$0x1];
	s7 =	simm.s32 $0x1;
	s1 =	sor.u32 s0, s1  }
0x5: {  	s8 =	simm.s32 $0x2;
	s9 =	simm.s32 $0x0;
	s3 =	sshll.u32 s1, $0x1  }
0x6: {  	s12 =	simm.s32 $0x0;
	s11 =	simm.s32 $0x0;
	s6 =	ssub.s32 $0x400, s3  }
.Ltmp0:
0x7: {  	s4 =	sadd.s32 $0xC00, s4;
	s5 =	sand.u32 $0x3E, s6;
	(pc) =	sbr.rel .LBB1_1-.Ltmp0, $4  }
0x8: {  	s1 =	rddreg [dreg:$0x2];
	_ =	strace $0x80000047;
	p0 =	sne.s32 s5, $0x0  }
0x9: {  	s6 =	sshrl.u32 s6, $0x6;
	s5 =	simm.s32 $0x1;
	s7 =	simm.s32 @!p0 $0x0  }
0xa: {  	s10 =	smov.u32 s3;
	[sflag:s5] =	ssyncpa.u1 $0x0;
	s6 =	sadd.s32 s7, s6  }
0xb: {  	[sflag:s8] =	ssyncpa.u1 $0x0;
	s8 =	simm.s32 $0x0;
	s7 =	sadd.s32 $0x1, s6  }
.LBB1_9:
0xc: {  	s14 =	sadd.s32 $0x40, s10  }
0xd: {  	p1 =	sgt.s32 s14, $0x3FF  }
0xe: {  	s14 =	smov.u32 @p1 s3;
	p1 =	sne.s32 s11, s7  }
.Ltmp1:
0xf: {  	p0 =	slt.u32 s11, $0x2;
	(pc) =	sbr.rel @!p1 .LBB1_10-.Ltmp1, $4  }
0x10: {  	s13 =	simm.s32 @!p0 $0x2  }
0x11: {  	s15 =	sadd.s32 $0x1, s11;
	_ =	swait.ge @!p0 [sflag:s13], $0x4000  }
0x12: {  	s12 =	smov.u32 s10;
	s9 =	sadd.s32 $0x4000, s9;
	[sflag:s13] =	ssyncset.done @!p0 $0x0  }
0x13: {  	s11 =	smov.u32 s15;
	s10 =	smov.u32 s14;
	[sflag:s13] =	ssyncadd.s32 @!p0 $0xFFFFC000  }
.LBB1_1:
0x14: {  	p0 =	sge.u32 s11, s6  }
0x15: {  	s13 =	sxor.u32 @!p0 $0xFFFFFFFF, s11  }
0x16: {  	s31 =	sadd.s32 $0xFFFFFFFF, s11;
	s14 =	sshll.u32 @!p0 s10, $0xA;
	s13 =	sshll.u32 @!p0 s13, $0xE  }
0x17: {  	s15 =	simm.s32 @!p0 $0x0;
	s14 =	sadd.s32 @!p0 s2, s14;
	s13 =	sand.u32 @!p0 $0x4000, s13  }
0x18: {  	[tilespmem:s13], [sflag:$0x1] =	stream.linear.gather @!p0 [hbm4b:s14+s15], $0x4000, $0x38;
	[tilespmem:$0x10000] =	vst v63  }
0x19: {  	p0 =	sge.u32 s31, s6  }
.Ltmp2:
0x1a: {  	_ = 	snop;
	(pc) =	sbr.rel @p0 .LBB1_9-.Ltmp2, $1  }
0x1b: {  	_ =	sdelay $0x3  }
0x1c: {  	s13 =	sshll.u32 s9, $0x2  }
0x1d: {  	_ =	swait.ge [sflag:s5], $0x4000;
	s14 =	sshll.u32 s11, $0xE;
	s16 =	simm.s32 $0x0  }
0x1e: {  	p1 =	por $0x1, $0x1;
	s13 =	sand.u32 $0x10000, s13;
	[sflag:s5] =	ssyncset.done $0x0  }
0x1f: {  	s14 =	sand.u32 $0x4000, s14;
	s15 =	sshrl.u32 s13, $0x2;
	[sflag:s5] =	ssyncadd.s32 $0xFFFFC000  }
0x20: {  	s13 =	sor.u32 $0x8000, s14;
	s14 =	sadd.s32 $0x8040, s15;
	s15 =	sadd.s32 $0x40, s15  }
.LBB1_3:
0x21: {  	s16 =	sshll.u32 s16, $0x2  }
0x22: {  	p0 =	por p1, p1;
	s17 =	sshra.s32 s16, $0x2  }
0x23: {  	s18 =	simm.s32 $0x0;
	s16 =	sadd.s32 s17, s14;
	s17 =	sadd.s32 s17, s15  }
.LBB1_4:
0x24: {  	v0 =	vmov s17;
	_ =	sdelay $0x3  }
0x25: {  	s20 =	simm.s32 $0x0  }
0x26: {  	v6 =	vld.idx.msk [tilespmem:v0+s20+$0x30 ss:$0x1], $0xffff  }
0x27: {  	v7 =	vld.idx.msk [tilespmem:v0+s20+$0xFFFFFFC0 ss:$0x1], $0xffff  }
0x28: {  	v5 =	vld.idx.msk [tilespmem:v0+s20+$0xFFFFFFD0 ss:$0x1], $0xffff  }
0x29: {  	v4 =	vld.idx.msk [tilespmem:v0+s20+$0xFFFFFFE0 ss:$0x1], $0xffff  }
0x2a: {  	v3 =	vld.idx.msk [tilespmem:v0+s20+$0xFFFFFFF0 ss:$0x1], $0xffff  }
0x2b: {  	v1 =	vld.idx.msk [tilespmem:v0+s20+$0x0 ss:$0x1], $0xffff  }
0x2c: {  	v2 =	vld.idx.msk [tilespmem:v0+s20+$0x10 ss:$0x1], $0xffff;
	[tilespmem:s16+$0x30] =	vst v6  }
0x2d: {  	s19 =	simm.s32 $0x80;
	s21 =	simm.s32 $0x400;
	[tilespmem:s16+$0xFFFFFFC0] =	vst v7;
	v6 =	vld.idx.msk [tilespmem:v0+s20+$0x20 ss:$0x1], $0xffff;
	s20 =	smov.u32 s16  }
.LBB1_5:
0x2e: {  	p1 =	sne.s32 s21, $0xE00;
	v7 =	vld.idx.msk [tilespmem:v0+s19+$0x30 ss:$0x1], $0xffff;
	[tilespmem:s20+$0xFFFFFFD0] =	vst v5  }
0x2f: {  	v8 =	vld.idx.msk [tilespmem:v0+s19+$0xFFFFFFC0 ss:$0x1], $0xffff;
	[tilespmem:s20+$0xFFFFFFE0] =	vst v4  }
0x30: {  	v5 =	vld.idx.msk [tilespmem:v0+s19+$0xFFFFFFD0 ss:$0x1], $0xffff;
	[tilespmem:s20+$0xFFFFFFF0] =	vst v3  }
.Ltmp3:
0x31: {  	v4 =	vld.idx.msk [tilespmem:v0+s19+$0xFFFFFFE0 ss:$0x1], $0xffff;
	[tilespmem:s20+$0x0] =	vst v1;
	(pc) =	sbr.rel @p1 .LBB1_5-.Ltmp3, $4  }
0x32: {  	v3 =	vld.idx.msk [tilespmem:v0+s19+$0xFFFFFFF0 ss:$0x1], $0xffff;
	[tilespmem:s20+$0x10] =	vst v2  }
0x33: {  	v1 =	vld.idx.msk [tilespmem:v0+s19+$0x0 ss:$0x1], $0xffff;
	[tilespmem:s20+$0x20] =	vst v6;
	s20 =	sadd.s32 $0x400, s20  }
0x34: {  	v2 =	vld.idx.msk [tilespmem:v0+s19+$0x10 ss:$0x1], $0xffff;
	[tilespmem:s20+$0x30] =	vst v7  }
0x35: {  	[tilespmem:s20+$0xFFFFFFC0] =	vst v8;
	v6 =	vld.idx.msk [tilespmem:v0+s19+$0x20 ss:$0x1], $0xffff;
	s19 =	sshra.s32 s21, $0x2;
	s21 =	sadd.s32 $0x200, s21  }
0x36: {  	_ =	sdelay $0x2  }
0x37: {  	[tilespmem:s20+$0xFFFFFFD0] =	vst v5  }
0x38: {  	v56 =	vld.idx.msk [tilespmem:v0+s19+$0x30 ss:$0x1], $0xffff;
	[tilespmem:s20+$0xFFFFFFE0] =	vst v4  }
0x39: {  	v57 =	vld.idx.msk [tilespmem:v0+s19+$0xFFFFFFC0 ss:$0x1], $0xffff;
	[tilespmem:s20+$0xFFFFFFF0] =	vst v3  }
0x3a: {  	v58 =	vld.idx.msk [tilespmem:v0+s19+$0xFFFFFFD0 ss:$0x1], $0xffff;
	[tilespmem:s20+$0x0] =	vst v1  }
0x3b: {  	v59 =	vld.idx.msk [tilespmem:v0+s19+$0xFFFFFFE0 ss:$0x1], $0xffff;
	[tilespmem:s20+$0x10] =	vst v2  }
0x3c: {  	v60 =	vld.idx.msk [tilespmem:v0+s19+$0xFFFFFFF0 ss:$0x1], $0xffff;
	s31 =	sadd.s32 $0x400, s20;
	[tilespmem:s20+$0x20] =	vst v6  }
0x3d: {  	v61 =	vld.idx.msk [tilespmem:v0+s19+$0x0 ss:$0x1], $0xffff;
	[tilespmem:s31+$0x30] =	vst v56  }
0x3e: {  	v62 =	vld.idx.msk [tilespmem:v0+s19+$0x10 ss:$0x1], $0xffff;
	s18 =	sadd.s32 $0x1, s18;
	[tilespmem:s31+$0xFFFFFFC0] =	vst v57  }
0x3f: {  	v63 =	vld.idx.msk [tilespmem:v0+s19+$0x20 ss:$0x1], $0xffff;
	p1 =	sne.s32 s18, $0x8;
	[tilespmem:s31+$0xFFFFFFD0] =	vst v58  }
.Ltmp4:
0x40: {  	[tilespmem:s31+$0xFFFFFFE0] =	vst v59;
	(pc) =	sbr.rel @p1 .LBB1_4-.Ltmp4, $4  }
0x41: {  	[tilespmem:s31+$0xFFFFFFF0] =	vst v60  }
0x42: {  	[tilespmem:s31+$0x0] =	vst v61  }
0x43: {  	[tilespmem:s31+$0x10] =	vst v62  }
0x44: {  	s16 =	sadd.s32 $0x80, s16;
	s17 =	sadd.s32 $0x400, s17;
	[tilespmem:s31+$0x20] =	vst v63  }
.Ltmp5:
0x45: {  	(pc) =	sbr.rel @p0 .LBB1_3-.Ltmp5, $2  }
0x46: {  	_ =	sdelay $0x2  }
0x47: {  	s16 =	simm.s32 $0x2000;
	p1 =	por $0x0, $0x0  }
.Ltmp6:
0x48: {  	(pc) =	sbr.rel .LBB1_9-.Ltmp6, $4  }
0x49: {  	_ = 	snop  }
0x4a: {  	s12 =	sshll.u32 s12, $0xA  }
0x4b: {  	s12 =	sadd.s32 s4, s12  }
0x4c: {  	[hbm4b:s12+s8] =	stream.linear.scatter [tilespmem:s13], [sflag:$0x2], $0x4000, $0x38;
	[tilespmem:$0x10000] =	vst v63  }
.LBB1_10:
0x4d: {  	_ =	sfence.sel $0x180000  }
0x4e: {  	s2 =	simm.s32 $0x1;
	[bflag:$0x0] =	sbarrier.arrive $0xFFFF  }
0x4f: {  	s31 =	simm.s32 $0x2;
	[sflag:s2] =	ssyncpa.u1 $0x1  }
0x50: {  	[sflag:s31] =	ssyncpa.u1 $0x1  }
0x51: {  	p0 =	sne.s32 s0, $0x0;
	_ =	strace $0x90000047  }
0x52: {  	s0 =	sadd.s32 @!p0 $0x100000, s1;
	[bflag:$0x2] =	sbarrier.arrive $0xFFFF  }
0x53: {  	[sflag:s0] =	ssyncadd.tile.s32 @!p0 $0x1;
	_ =	shalt  }
.Lfunc_end1:
_tile_overlayer_lowered:
.L_overlay_start_2:
0x54: {  	(tag) =	ssettag $0x2  }
0x55: {  	s0 =	rddreg [dreg:$0x0];
	s2 =	stileid.u32  }
0x56: {  	s1 =	rddreg [dreg:$0x1];
	p0 =	sne.s32 s2, $0x0  }
0x57: {  	s3 =	rddreg [dreg:$0x2];
	[bflag:$0x3] =	sbarrier.arrive $0xFFFF;
	s2 =	simm.s32 @!p0 $0x1C01  }
0x58: {  	[timem:s3], [sflag:s2] =	dma.local @!p0 [hbm:s0], s1  }
0x59: {  	s0 =	simm.s32 @!p0 $0x1  }
0x5a: {  	_ =	swait.ge @!p0 [sflag:s0], s1  }
0x5b: {  	s1 =	ssub.s32 @!p0 $0x0, s1;
	[sflag:s0] =	ssyncset.done @!p0 $0x0  }
0x5c: {  	[sflag:s0] =	ssyncadd.s32 @!p0 s1  }
0x5d: {  	[bflag:$0x3] =	sbarrier.arrive $0xFFFF  }
0x5e: {  	_ =	shalt  }

</sc_bundles>
